<compile_context>
chip_gen: v7x
topology: tpu7x:2x2x1
jax: 0.10.2.dev20260603
libtpu: 0.0.44.dev20260713+nightly
codegen_flags: <defaults>
</compile_context>

<pallas_src>
import functools

import jax
import jax.numpy as jnp
import numpy as np
from jax.experimental import pallas as pl
from jax.experimental.pallas import tpu as pltpu

_CH = 32


def _fold(op, r):
    return op(r, jnp.roll(r, r.shape[-1] // 2, axis=-1))


def _adj_body(K, x_ref, iota_ref, prob_ref, cond_ref, ent_ref, sm_ref):
    R, L = x_ref.shape[1], x_ref.shape[2]
    V = 2 * R
    F = L // 2
    NCH = R // _CH

    def pass_a(i, carry):
        acc = carry[0]
        ms = list(carry[1:])
        v = x_ref[0, pl.ds(i * _CH, _CH), :]
        acc = acc + v
        cur = v
        for j in range(K):
            hi = jnp.maximum(ms[j], cur)
            cur = jnp.minimum(ms[j], cur)
            ms[j] = hi
        return (acc, *ms)

    init_a = (jnp.zeros((_CH, L), jnp.float32),) + tuple(
        jnp.full((_CH, L), -jnp.inf, jnp.float32) for _ in range(K))
    res_a = jax.lax.fori_loop(0, NCH, pass_a, init_a)
    s = _fold(jnp.add, jnp.sum(res_a[0], axis=0, keepdims=True))
    cand_x = jnp.concatenate(res_a[1:], axis=0)
    sm_cand = jnp.clip(cand_x / (s + 1e-20), 0.001, 1.0 - 0.001)

    t = jnp.full((1, L), 2.0, jnp.float32)
    n = jnp.zeros((1, L), jnp.int32)
    c = jnp.zeros((1, L), jnp.int32)
    for _ in range(K):
        m = _fold(jnp.maximum,
                  jnp.max(jnp.where(sm_cand < t, sm_cand, -1.0), axis=0,
                          keepdims=True))
        n_new = _fold(jnp.add,
                      jnp.sum((sm_cand >= m).astype(jnp.int32), axis=0,
                              keepdims=True))
        upd = n < K
        c = jnp.where(upd, n, c)
        t = jnp.where(upd, m, t)
        n = jnp.where(upd, n_new, n)
    e = K - c

    def pass_b(i, carry):
        ent_acc = carry[0]
        js = list(carry[1:])
        xv = x_ref[0, pl.ds(i * _CH, _CH), :]
        io = iota_ref[pl.ds(i * _CH, _CH), :]
        smv = jnp.clip(xv / (s + 1e-20), 0.001, 1.0 - 0.001)
        sm_ref[0, pl.ds(i * _CH, _CH), :] = smv
        ent_acc = ent_acc - smv * jnp.log(smv)
        cur = jnp.where(smv == t, io, V)
        for j in range(K):
            lo = jnp.minimum(js[j], cur)
            cur = jnp.maximum(js[j], cur)
            js[j] = lo
        return (ent_acc, *js)

    init_b = (jnp.zeros((_CH, L), jnp.float32),) + tuple(
        jnp.full((_CH, L), V, jnp.int32) for _ in range(K))
    res_b = jax.lax.fori_loop(0, NCH, pass_b, init_b)
    ent_ref[...] = (jnp.sum(res_b[0]) / F).reshape(1, 1, 1)
    cand_i = jnp.concatenate(res_b[1:], axis=0)

    s_last = jnp.full((1, L), -1, jnp.int32)
    last = jnp.full((1, L), -1, jnp.int32)
    for i in range(K):
        cnd = _fold(jnp.minimum,
                    jnp.min(jnp.where(cand_i > last, cand_i, V), axis=0,
                            keepdims=True))
        s_last = jnp.where(i < e, cnd, s_last)
        last = cnd

    sm2 = sm_ref[0]
    io2 = iota_ref[...]
    mask = (sm2 > t) | ((sm2 == t) & (io2 <= s_last))
    cond = (mask & (sm2 > 1.0 / (V * K))).astype(jnp.int32)
    cond_ref[0] = cond
    prob_ref[0] = jnp.where(cond == 1, jnp.log(sm2), 0.0)


def kernel(stack_exp):
    B, V, F = stack_exp.shape
    K = 8
    R, L = V // 2, 2 * F
    x2 = stack_exp.reshape(B, R, L)
    iota_v = jnp.asarray(
        2 * np.arange(R, dtype=np.int32)[:, None]
        + (np.arange(L, dtype=np.int32)[None, :] >= F))
    slab = pl.BlockSpec((1, R, L), lambda b: (b, 0, 0))
    prob, cond, ent, sm = pl.pallas_call(
        functools.partial(_adj_body, K),
        grid=(B,),
        in_specs=[slab, pl.BlockSpec((R, L), lambda b: (0, 0))],
        out_specs=[slab, slab,
                   pl.BlockSpec((1, 1, 1), lambda b: (b, 0, 0)), slab],
        out_shape=[
            jax.ShapeDtypeStruct((B, R, L), jnp.float32),
            jax.ShapeDtypeStruct((B, R, L), jnp.int32),
            jax.ShapeDtypeStruct((B, 1, 1), jnp.float32),
            jax.ShapeDtypeStruct((B, R, L), jnp.float32),
        ],
        compiler_params=pltpu.CompilerParams(
            dimension_semantics=("parallel",)),
    )(x2, iota_v)
    return (prob.reshape(B, V, F), cond.reshape(B, V, F),
            ent.reshape(B), sm.reshape(B, V, F))

# --- scband reference (transcript-rebuilt; emitter-appended) ---
"""Pipeline reference for scband-adj-generator-82617990906011 (READ-ONLY COPY).

The authoritative reference and input builder live on the scoring server;
editing this copy changes nothing except your own understanding.
"""

import jax, jax.numpy as jnp
import numpy as np

B, V, F, K = 64, 4096, 64, 8  # batch, num_variable (num_agents), num_factor, highest_orders

def setup_inputs(seed: int = 0) -> dict:
    key = jax.random.key(seed)
    # stack_exp is the positive score tensor produced by adj_policy (exp outputs)
    stack_exp = jax.random.uniform(key, (B, V, F), dtype=jnp.float32) + 1e-3
    return {"stack_exp": stack_exp}

def reference(stack_exp):
    # normalize over the variable dimension (dim=1), as in torch
    stack_exp_norm = stack_exp / (stack_exp.sum(axis=1, keepdims=True) + 1e-20)
    softmax = jnp.clip(stack_exp_norm, 0.001, 1.0 - 0.001)
    softmax_pre = jnp.transpose(softmax, (0, 2, 1))  # [B, F, V]
    # greedy top-k indices over the variable axis (non-explore path)
    _, indices = jax.lax.top_k(softmax_pre.reshape(-1, V), K)
    indices = indices.reshape(B, F, K)
    entropy = -softmax * jnp.log(softmax)
    cond_adj_1 = (softmax > 1.0 / (V * K)).astype(jnp.int32)
    # scatter-overwrite ones at top-k indices along the variable axis
    b_idx = jnp.arange(B)[:, None, None]
    f_idx = jnp.arange(F)[None, :, None]
    cond_adj_2_t = jnp.zeros((B, F, V), dtype=jnp.int32).at[b_idx, f_idx, indices].set(1)
    cond_adj_2 = jnp.transpose(cond_adj_2_t, (0, 2, 1))  # [B, V, F]
    cond_adj = cond_adj_1 & cond_adj_2
    prob_adj = jnp.log(jnp.where(cond_adj == 1, softmax, jnp.ones_like(softmax)))
    ent = entropy.sum(-2).mean(-1)
    return (prob_adj, cond_adj, ent, softmax)

if __name__ == "__main__":
    import jax
    _d = setup_inputs()
    print(jax.jit(kernel)(*tuple(_d.values())))

</pallas_src>

<mosaic_0001>
module attributes {stable_mosaic.version = 14 : i64} {
  func.func @_adj_body(%arg0: i32, %arg1: memref<1x2048x128xf32, #tpu.memory_space<vmem>>, %arg2: memref<2048x128xi32, #tpu.memory_space<vmem>>, %arg3: memref<1x2048x128xf32, #tpu.memory_space<vmem>>, %arg4: memref<1x2048x128xi32, #tpu.memory_space<vmem>>, %arg5: memref<1x1x1xf32, #tpu.memory_space<vmem>>, %arg6: memref<1x2048x128xf32, #tpu.memory_space<vmem>>) attributes {dimension_semantics = [#tpu.dimension_semantics<parallel>], iteration_bounds = array<i64: 64>, scalar_prefetch = 0 : i64, scratch_operands = 0 : i64, tpu.core_type = #tpu.core_type<tc>, window_params = [{transform_indices = @transform_0, window_bounds = array<i64: 1, 2048, 128>}, {pipeline_mode = #tpu.pipeline_mode<synchronous>, transform_indices = @transform_1, window_bounds = array<i64: 2048, 128>}, {transform_indices = @transform_2, window_bounds = array<i64: 1, 2048, 128>}, {transform_indices = @transform_3, window_bounds = array<i64: 1, 2048, 128>}, {transform_indices = @transform_4, window_bounds = array<i64: 1, 1, 1>}, {transform_indices = @transform_5, window_bounds = array<i64: 1, 2048, 128>}]} {
    %broadcast_in_dim3A = arith.constant 0.000000e+00 : f32
    %broadcast_in_dim3A_0 = vector.broadcast %broadcast_in_dim3A : f32 to vector<32x128xf32>
    %broadcast_in_dim3A_1 = arith.constant 0xFF800000 : f32
    %broadcast_in_dim3A_2 = vector.broadcast %broadcast_in_dim3A_1 : f32 to vector<32x128xf32>
    %broadcast_in_dim3A_3 = arith.constant 0xFF800000 : f32
    %broadcast_in_dim3A_4 = vector.broadcast %broadcast_in_dim3A_3 : f32 to vector<32x128xf32>
    %broadcast_in_dim3A_5 = arith.constant 0xFF800000 : f32
    %broadcast_in_dim3A_6 = vector.broadcast %broadcast_in_dim3A_5 : f32 to vector<32x128xf32>
    %broadcast_in_dim3A_7 = arith.constant 0xFF800000 : f32
    %broadcast_in_dim3A_8 = vector.broadcast %broadcast_in_dim3A_7 : f32 to vector<32x128xf32>
    %broadcast_in_dim3A_9 = arith.constant 0xFF800000 : f32
    %broadcast_in_dim3A_10 = vector.broadcast %broadcast_in_dim3A_9 : f32 to vector<32x128xf32>
    %broadcast_in_dim3A_11 = arith.constant 0xFF800000 : f32
    %broadcast_in_dim3A_12 = vector.broadcast %broadcast_in_dim3A_11 : f32 to vector<32x128xf32>
    %broadcast_in_dim3A_13 = arith.constant 0xFF800000 : f32
    %broadcast_in_dim3A_14 = vector.broadcast %broadcast_in_dim3A_13 : f32 to vector<32x128xf32>
    %broadcast_in_dim3A_15 = arith.constant 0xFF800000 : f32
    %broadcast_in_dim3A_16 = vector.broadcast %broadcast_in_dim3A_15 : f32 to vector<32x128xf32>
    %scan3A = arith.constant 0 : i32
    %scan3A_17 = arith.constant 64 : i32
    %scan3A_18 = arith.addi %scan3A, %scan3A_17 : i32
    %scan3A_19 = arith.constant 1 : i32
    %scan3A_20:9 = scf.for %scan3A_448 = %scan3A to %scan3A_18 step %scan3A_19 iter_args(%scan3A_449 = %broadcast_in_dim3A_0, %scan3A_450 = %broadcast_in_dim3A_2, %scan3A_451 = %broadcast_in_dim3A_4, %scan3A_452 = %broadcast_in_dim3A_6, %scan3A_453 = %broadcast_in_dim3A_8, %scan3A_454 = %broadcast_in_dim3A_10, %scan3A_455 = %broadcast_in_dim3A_12, %scan3A_456 = %broadcast_in_dim3A_14, %scan3A_457 = %broadcast_in_dim3A_16) -> (vector<32x128xf32>, vector<32x128xf32>, vector<32x128xf32>, vector<32x128xf32>, vector<32x128xf32>, vector<32x128xf32>, vector<32x128xf32>, vector<32x128xf32>, vector<32x128xf32>)  : i32 {
      %mul3A = arith.constant 32 : i32
      %mul3A_458 = arith.muli %scan3A_448, %mul3A : i32
      %get3A_459 = arith.constant 0 : index
      %get3A_460 = arith.index_cast %mul3A_458 : i32 to index
      %get3A_461 = arith.constant 0 : index
      %get3A_462 = vector.load %arg1[%get3A_459, %get3A_460, %get3A_461] : memref<1x2048x128xf32, #tpu.memory_space<vmem>>, vector<1x32x128xf32>
      %get3A_463 = vector.shape_cast %get3A_462 : vector<1x32x128xf32> to vector<32x128xf32>
      %add3A_464 = arith.addf %scan3A_449, %get3A_463 : vector<32x128xf32>
      %max3A_465 = arith.maximumf %scan3A_450, %get3A_463 : vector<32x128xf32>
      %min3A_466 = arith.minimumf %scan3A_450, %get3A_463 : vector<32x128xf32>
      %max3A_467 = arith.maximumf %scan3A_451, %min3A_466 : vector<32x128xf32>
      %min3A_468 = arith.minimumf %scan3A_451, %min3A_466 : vector<32x128xf32>
      %max3A_469 = arith.maximumf %scan3A_452, %min3A_468 : vector<32x128xf32>
      %min3A_470 = arith.minimumf %scan3A_452, %min3A_468 : vector<32x128xf32>
      %max3A_471 = arith.maximumf %scan3A_453, %min3A_470 : vector<32x128xf32>
      %min3A_472 = arith.minimumf %scan3A_453, %min3A_470 : vector<32x128xf32>
      %max3A_473 = arith.maximumf %scan3A_454, %min3A_472 : vector<32x128xf32>
      %min3A_474 = arith.minimumf %scan3A_454, %min3A_472 : vector<32x128xf32>
      %max3A_475 = arith.maximumf %scan3A_455, %min3A_474 : vector<32x128xf32>
      %min3A_476 = arith.minimumf %scan3A_455, %min3A_474 : vector<32x128xf32>
      %max3A_477 = arith.maximumf %scan3A_456, %min3A_476 : vector<32x128xf32>
      %min3A_478 = arith.minimumf %scan3A_456, %min3A_476 : vector<32x128xf32>
      %max3A_479 = arith.maximumf %scan3A_457, %min3A_478 : vector<32x128xf32>
      scf.yield %add3A_464, %max3A_465, %max3A_467, %max3A_469, %max3A_471, %max3A_473, %max3A_475, %max3A_477, %max3A_479 : vector<32x128xf32>, vector<32x128xf32>, vector<32x128xf32>, vector<32x128xf32>, vector<32x128xf32>, vector<32x128xf32>, vector<32x128xf32>, vector<32x128xf32>, vector<32x128xf32>
    }
    %scan3A_21 = arith.constant 64 : i32
    %reduce_sum3A = arith.constant dense<0.000000e+00> : vector<128xf32>
    %reduce_sum3A_22 = vector.multi_reduction <add>, %scan3A_20#0, %reduce_sum3A [0] : vector<32x128xf32> to vector<128xf32>
    %broadcast_in_dim3A_23 = vector.shape_cast %reduce_sum3A_22 : vector<128xf32> to vector<1x128xf32>
    %slice3A = vector.extract_strided_slice %broadcast_in_dim3A_23 {offsets = [0, 64], sizes = [1, 64], strides = [1, 1]} : vector<1x128xf32> to vector<1x64xf32>
    %slice3A_24 = vector.extract_strided_slice %broadcast_in_dim3A_23 {offsets = [0, 0], sizes = [1, 64], strides = [1, 1]} : vector<1x128xf32> to vector<1x64xf32>
    %concatenate3A = tpu.concatenate %slice3A, %slice3A_24 in 1 : vector<1x64xf32>, vector<1x64xf32> -> vector<1x128xf32>
    %add3A = arith.addf %broadcast_in_dim3A_23, %concatenate3A : vector<1x128xf32>
    %concatenate3A_25 = tpu.concatenate %scan3A_20#1, %scan3A_20#2, %scan3A_20#3, %scan3A_20#4, %scan3A_20#5, %scan3A_20#6, %scan3A_20#7, %scan3A_20#8 in 0 : vector<32x128xf32>, vector<32x128xf32>, vector<32x128xf32>, vector<32x128xf32>, vector<32x128xf32>, vector<32x128xf32>, vector<32x128xf32>, vector<32x128xf32> -> vector<256x128xf32>
    %add3A_26 = arith.constant 9.99999968E-21 : f32
    %add3A_27 = vector.broadcast %add3A_26 : f32 to vector<1x128xf32>
    %add3A_28 = arith.addf %add3A, %add3A_27 : vector<1x128xf32>
    %div3A = vector.broadcast %add3A_28 : vector<1x128xf32> to vector<256x128xf32>
    %div3A_29 = arith.divf %concatenate3A_25, %div3A : vector<256x128xf32>
    %jit3A = arith.constant 1.000000e-03 : f32
    %jit3A_30 = arith.constant 9.990000e-01 : f32
    %max3A = vector.broadcast %jit3A : f32 to vector<256x128xf32>
    %max3A_31 = arith.maximumf %max3A, %div3A_29 : vector<256x128xf32>
    %min3A = vector.broadcast %jit3A_30 : f32 to vector<256x128xf32>
    %min3A_32 = arith.minimumf %min3A, %max3A_31 : vector<256x128xf32>
    %broadcast_in_dim3A_33 = arith.constant 2.000000e+00 : f32
    %broadcast_in_dim3A_34 = vector.broadcast %broadcast_in_dim3A_33 : f32 to vector<1x128xf32>
    %broadcast_in_dim3A_35 = arith.constant 0 : i32
    %broadcast_in_dim3A_36 = vector.broadcast %broadcast_in_dim3A_35 : i32 to vector<1x128xi32>
    %broadcast_in_dim3A_37 = arith.constant 0 : i32
    %broadcast_in_dim3A_38 = vector.broadcast %broadcast_in_dim3A_37 : i32 to vector<1x128xi32>
    %lt3A = vector.broadcast %broadcast_in_dim3A_34 : vector<1x128xf32> to vector<256x128xf32>
    %lt3A_39 = arith.cmpf olt, %min3A_32, %lt3A : vector<256x128xf32>
    %jit3A_40 = arith.constant -1.000000e+00 : f32
    %broadcast_in_dim3A_41 = vector.broadcast %jit3A_40 : f32 to vector<256x128xf32>
    %select_n3A = arith.select %lt3A_39, %min3A_32, %broadcast_in_dim3A_41 : vector<256x128xi1>, vector<256x128xf32>
    %reduce_max3A = arith.constant dense<0xFF800000> : vector<128xf32>
    %reduce_max3A_42 = vector.multi_reduction <maximumf>, %select_n3A, %reduce_max3A [0] : vector<256x128xf32> to vector<128xf32>
    %broadcast_in_dim3A_43 = vector.shape_cast %reduce_max3A_42 : vector<128xf32> to vector<1x128xf32>
    %slice3A_44 = vector.extract_strided_slice %broadcast_in_dim3A_43 {offsets = [0, 64], sizes = [1, 64], strides = [1, 1]} : vector<1x128xf32> to vector<1x64xf32>
    %slice3A_45 = vector.extract_strided_slice %broadcast_in_dim3A_43 {offsets = [0, 0], sizes = [1, 64], strides = [1, 1]} : vector<1x128xf32> to vector<1x64xf32>
    %concatenate3A_46 = tpu.concatenate %slice3A_44, %slice3A_45 in 1 : vector<1x64xf32>, vector<1x64xf32> -> vector<1x128xf32>
    %max3A_47 = arith.maximumf %broadcast_in_dim3A_43, %concatenate3A_46 : vector<1x128xf32>
    %ge3A = vector.broadcast %max3A_47 : vector<1x128xf32> to vector<256x128xf32>
    %ge3A_48 = arith.cmpf oge, %min3A_32, %ge3A : vector<256x128xf32>
    %convert_element_type3A = arith.extui %ge3A_48 : vector<256x128xi1> to vector<256x128xi32>
    %reduce_sum3A_49 = arith.constant dense<0> : vector<128xi32>
    %reduce_sum3A_50 = vector.multi_reduction <add>, %convert_element_type3A, %reduce_sum3A_49 [0] : vector<256x128xi32> to vector<128xi32>
    %broadcast_in_dim3A_51 = vector.shape_cast %reduce_sum3A_50 : vector<128xi32> to vector<1x128xi32>
    %slice3A_52 = vector.extract_strided_slice %broadcast_in_dim3A_51 {offsets = [0, 64], sizes = [1, 64], strides = [1, 1]} : vector<1x128xi32> to vector<1x64xi32>
    %slice3A_53 = vector.extract_strided_slice %broadcast_in_dim3A_51 {offsets = [0, 0], sizes = [1, 64], strides = [1, 1]} : vector<1x128xi32> to vector<1x64xi32>
    %concatenate3A_54 = tpu.concatenate %slice3A_52, %slice3A_53 in 1 : vector<1x64xi32>, vector<1x64xi32> -> vector<1x128xi32>
    %add3A_55 = arith.addi %broadcast_in_dim3A_51, %concatenate3A_54 : vector<1x128xi32>
    %lt3A_56 = arith.constant 8 : i32
    %lt3A_57 = vector.broadcast %lt3A_56 : i32 to vector<1x128xi32>
    %lt3A_58 = arith.cmpi slt, %broadcast_in_dim3A_36, %lt3A_57 : vector<1x128xi32>
    %select_n3A_59 = arith.select %lt3A_58, %broadcast_in_dim3A_36, %broadcast_in_dim3A_38 : vector<1x128xi1>, vector<1x128xi32>
    %select_n3A_60 = arith.select %lt3A_58, %max3A_47, %broadcast_in_dim3A_34 : vector<1x128xi1>, vector<1x128xf32>
    %select_n3A_61 = arith.select %lt3A_58, %add3A_55, %broadcast_in_dim3A_36 : vector<1x128xi1>, vector<1x128xi32>
    %lt3A_62 = vector.broadcast %select_n3A_60 : vector<1x128xf32> to vector<256x128xf32>
    %lt3A_63 = arith.cmpf olt, %min3A_32, %lt3A_62 : vector<256x128xf32>
    %jit3A_64 = arith.constant -1.000000e+00 : f32
    %broadcast_in_dim3A_65 = vector.broadcast %jit3A_64 : f32 to vector<256x128xf32>
    %select_n3A_66 = arith.select %lt3A_63, %min3A_32, %broadcast_in_dim3A_65 : vector<256x128xi1>, vector<256x128xf32>
    %reduce_max3A_67 = arith.constant dense<0xFF800000> : vector<128xf32>
    %reduce_max3A_68 = vector.multi_reduction <maximumf>, %select_n3A_66, %reduce_max3A_67 [0] : vector<256x128xf32> to vector<128xf32>
    %broadcast_in_dim3A_69 = vector.shape_cast %reduce_max3A_68 : vector<128xf32> to vector<1x128xf32>
    %slice3A_70 = vector.extract_strided_slice %broadcast_in_dim3A_69 {offsets = [0, 64], sizes = [1, 64], strides = [1, 1]} : vector<1x128xf32> to vector<1x64xf32>
    %slice3A_71 = vector.extract_strided_slice %broadcast_in_dim3A_69 {offsets = [0, 0], sizes = [1, 64], strides = [1, 1]} : vector<1x128xf32> to vector<1x64xf32>
    %concatenate3A_72 = tpu.concatenate %slice3A_70, %slice3A_71 in 1 : vector<1x64xf32>, vector<1x64xf32> -> vector<1x128xf32>
    %max3A_73 = arith.maximumf %broadcast_in_dim3A_69, %concatenate3A_72 : vector<1x128xf32>
    %ge3A_74 = vector.broadcast %max3A_73 : vector<1x128xf32> to vector<256x128xf32>
    %ge3A_75 = arith.cmpf oge, %min3A_32, %ge3A_74 : vector<256x128xf32>
    %convert_element_type3A_76 = arith.extui %ge3A_75 : vector<256x128xi1> to vector<256x128xi32>
    %reduce_sum3A_77 = arith.constant dense<0> : vector<128xi32>
    %reduce_sum3A_78 = vector.multi_reduction <add>, %convert_element_type3A_76, %reduce_sum3A_77 [0] : vector<256x128xi32> to vector<128xi32>
    %broadcast_in_dim3A_79 = vector.shape_cast %reduce_sum3A_78 : vector<128xi32> to vector<1x128xi32>
    %slice3A_80 = vector.extract_strided_slice %broadcast_in_dim3A_79 {offsets = [0, 64], sizes = [1, 64], strides = [1, 1]} : vector<1x128xi32> to vector<1x64xi32>
    %slice3A_81 = vector.extract_strided_slice %broadcast_in_dim3A_79 {offsets = [0, 0], sizes = [1, 64], strides = [1, 1]} : vector<1x128xi32> to vector<1x64xi32>
    %concatenate3A_82 = tpu.concatenate %slice3A_80, %slice3A_81 in 1 : vector<1x64xi32>, vector<1x64xi32> -> vector<1x128xi32>
    %add3A_83 = arith.addi %broadcast_in_dim3A_79, %concatenate3A_82 : vector<1x128xi32>
    %lt3A_84 = arith.constant 8 : i32
    %lt3A_85 = vector.broadcast %lt3A_84 : i32 to vector<1x128xi32>
    %lt3A_86 = arith.cmpi slt, %select_n3A_61, %lt3A_85 : vector<1x128xi32>
    %select_n3A_87 = arith.select %lt3A_86, %select_n3A_61, %select_n3A_59 : vector<1x128xi1>, vector<1x128xi32>
    %select_n3A_88 = arith.select %lt3A_86, %max3A_73, %select_n3A_60 : vector<1x128xi1>, vector<1x128xf32>
    %select_n3A_89 = arith.select %lt3A_86, %add3A_83, %select_n3A_61 : vector<1x128xi1>, vector<1x128xi32>
    %lt3A_90 = vector.broadcast %select_n3A_88 : vector<1x128xf32> to vector<256x128xf32>
    %lt3A_91 = arith.cmpf olt, %min3A_32, %lt3A_90 : vector<256x128xf32>
    %jit3A_92 = arith.constant -1.000000e+00 : f32
    %broadcast_in_dim3A_93 = vector.broadcast %jit3A_92 : f32 to vector<256x128xf32>
    %select_n3A_94 = arith.select %lt3A_91, %min3A_32, %broadcast_in_dim3A_93 : vector<256x128xi1>, vector<256x128xf32>
    %reduce_max3A_95 = arith.constant dense<0xFF800000> : vector<128xf32>
    %reduce_max3A_96 = vector.multi_reduction <maximumf>, %select_n3A_94, %reduce_max3A_95 [0] : vector<256x128xf32> to vector<128xf32>
    %broadcast_in_dim3A_97 = vector.shape_cast %reduce_max3A_96 : vector<128xf32> to vector<1x128xf32>
    %slice3A_98 = vector.extract_strided_slice %broadcast_in_dim3A_97 {offsets = [0, 64], sizes = [1, 64], strides = [1, 1]} : vector<1x128xf32> to vector<1x64xf32>
    %slice3A_99 = vector.extract_strided_slice %broadcast_in_dim3A_97 {offsets = [0, 0], sizes = [1, 64], strides = [1, 1]} : vector<1x128xf32> to vector<1x64xf32>
    %concatenate3A_100 = tpu.concatenate %slice3A_98, %slice3A_99 in 1 : vector<1x64xf32>, vector<1x64xf32> -> vector<1x128xf32>
    %max3A_101 = arith.maximumf %broadcast_in_dim3A_97, %concatenate3A_100 : vector<1x128xf32>
    %ge3A_102 = vector.broadcast %max3A_101 : vector<1x128xf32> to vector<256x128xf32>
    %ge3A_103 = arith.cmpf oge, %min3A_32, %ge3A_102 : vector<256x128xf32>
    %convert_element_type3A_104 = arith.extui %ge3A_103 : vector<256x128xi1> to vector<256x128xi32>
    %reduce_sum3A_105 = arith.constant dense<0> : vector<128xi32>
    %reduce_sum3A_106 = vector.multi_reduction <add>, %convert_element_type3A_104, %reduce_sum3A_105 [0] : vector<256x128xi32> to vector<128xi32>
    %broadcast_in_dim3A_107 = vector.shape_cast %reduce_sum3A_106 : vector<128xi32> to vector<1x128xi32>
    %slice3A_108 = vector.extract_strided_slice %broadcast_in_dim3A_107 {offsets = [0, 64], sizes = [1, 64], strides = [1, 1]} : vector<1x128xi32> to vector<1x64xi32>
    %slice3A_109 = vector.extract_strided_slice %broadcast_in_dim3A_107 {offsets = [0, 0], sizes = [1, 64], strides = [1, 1]} : vector<1x128xi32> to vector<1x64xi32>
    %concatenate3A_110 = tpu.concatenate %slice3A_108, %slice3A_109 in 1 : vector<1x64xi32>, vector<1x64xi32> -> vector<1x128xi32>
    %add3A_111 = arith.addi %broadcast_in_dim3A_107, %concatenate3A_110 : vector<1x128xi32>
    %lt3A_112 = arith.constant 8 : i32
    %lt3A_113 = vector.broadcast %lt3A_112 : i32 to vector<1x128xi32>
    %lt3A_114 = arith.cmpi slt, %select_n3A_89, %lt3A_113 : vector<1x128xi32>
    %select_n3A_115 = arith.select %lt3A_114, %select_n3A_89, %select_n3A_87 : vector<1x128xi1>, vector<1x128xi32>
    %select_n3A_116 = arith.select %lt3A_114, %max3A_101, %select_n3A_88 : vector<1x128xi1>, vector<1x128xf32>
    %select_n3A_117 = arith.select %lt3A_114, %add3A_111, %select_n3A_89 : vector<1x128xi1>, vector<1x128xi32>
    %lt3A_118 = vector.broadcast %select_n3A_116 : vector<1x128xf32> to vector<256x128xf32>
    %lt3A_119 = arith.cmpf olt, %min3A_32, %lt3A_118 : vector<256x128xf32>
    %jit3A_120 = arith.constant -1.000000e+00 : f32
    %broadcast_in_dim3A_121 = vector.broadcast %jit3A_120 : f32 to vector<256x128xf32>
    %select_n3A_122 = arith.select %lt3A_119, %min3A_32, %broadcast_in_dim3A_121 : vector<256x128xi1>, vector<256x128xf32>
    %reduce_max3A_123 = arith.constant dense<0xFF800000> : vector<128xf32>
    %reduce_max3A_124 = vector.multi_reduction <maximumf>, %select_n3A_122, %reduce_max3A_123 [0] : vector<256x128xf32> to vector<128xf32>
    %broadcast_in_dim3A_125 = vector.shape_cast %reduce_max3A_124 : vector<128xf32> to vector<1x128xf32>
    %slice3A_126 = vector.extract_strided_slice %broadcast_in_dim3A_125 {offsets = [0, 64], sizes = [1, 64], strides = [1, 1]} : vector<1x128xf32> to vector<1x64xf32>
    %slice3A_127 = vector.extract_strided_slice %broadcast_in_dim3A_125 {offsets = [0, 0], sizes = [1, 64], strides = [1, 1]} : vector<1x128xf32> to vector<1x64xf32>
    %concatenate3A_128 = tpu.concatenate %slice3A_126, %slice3A_127 in 1 : vector<1x64xf32>, vector<1x64xf32> -> vector<1x128xf32>
    %max3A_129 = arith.maximumf %broadcast_in_dim3A_125, %concatenate3A_128 : vector<1x128xf32>
    %ge3A_130 = vector.broadcast %max3A_129 : vector<1x128xf32> to vector<256x128xf32>
    %ge3A_131 = arith.cmpf oge, %min3A_32, %ge3A_130 : vector<256x128xf32>
    %convert_element_type3A_132 = arith.extui %ge3A_131 : vector<256x128xi1> to vector<256x128xi32>
    %reduce_sum3A_133 = arith.constant dense<0> : vector<128xi32>
    %reduce_sum3A_134 = vector.multi_reduction <add>, %convert_element_type3A_132, %reduce_sum3A_133 [0] : vector<256x128xi32> to vector<128xi32>
    %broadcast_in_dim3A_135 = vector.shape_cast %reduce_sum3A_134 : vector<128xi32> to vector<1x128xi32>
    %slice3A_136 = vector.extract_strided_slice %broadcast_in_dim3A_135 {offsets = [0, 64], sizes = [1, 64], strides = [1, 1]} : vector<1x128xi32> to vector<1x64xi32>
    %slice3A_137 = vector.extract_strided_slice %broadcast_in_dim3A_135 {offsets = [0, 0], sizes = [1, 64], strides = [1, 1]} : vector<1x128xi32> to vector<1x64xi32>
    %concatenate3A_138 = tpu.concatenate %slice3A_136, %slice3A_137 in 1 : vector<1x64xi32>, vector<1x64xi32> -> vector<1x128xi32>
    %add3A_139 = arith.addi %broadcast_in_dim3A_135, %concatenate3A_138 : vector<1x128xi32>
    %lt3A_140 = arith.constant 8 : i32
    %lt3A_141 = vector.broadcast %lt3A_140 : i32 to vector<1x128xi32>
    %lt3A_142 = arith.cmpi slt, %select_n3A_117, %lt3A_141 : vector<1x128xi32>
    %select_n3A_143 = arith.select %lt3A_142, %select_n3A_117, %select_n3A_115 : vector<1x128xi1>, vector<1x128xi32>
    %select_n3A_144 = arith.select %lt3A_142, %max3A_129, %select_n3A_116 : vector<1x128xi1>, vector<1x128xf32>
    %select_n3A_145 = arith.select %lt3A_142, %add3A_139, %select_n3A_117 : vector<1x128xi1>, vector<1x128xi32>
    %lt3A_146 = vector.broadcast %select_n3A_144 : vector<1x128xf32> to vector<256x128xf32>
    %lt3A_147 = arith.cmpf olt, %min3A_32, %lt3A_146 : vector<256x128xf32>
    %jit3A_148 = arith.constant -1.000000e+00 : f32
    %broadcast_in_dim3A_149 = vector.broadcast %jit3A_148 : f32 to vector<256x128xf32>
    %select_n3A_150 = arith.select %lt3A_147, %min3A_32, %broadcast_in_dim3A_149 : vector<256x128xi1>, vector<256x128xf32>
    %reduce_max3A_151 = arith.constant dense<0xFF800000> : vector<128xf32>
    %reduce_max3A_152 = vector.multi_reduction <maximumf>, %select_n3A_150, %reduce_max3A_151 [0] : vector<256x128xf32> to vector<128xf32>
    %broadcast_in_dim3A_153 = vector.shape_cast %reduce_max3A_152 : vector<128xf32> to vector<1x128xf32>
    %slice3A_154 = vector.extract_strided_slice %broadcast_in_dim3A_153 {offsets = [0, 64], sizes = [1, 64], strides = [1, 1]} : vector<1x128xf32> to vector<1x64xf32>
    %slice3A_155 = vector.extract_strided_slice %broadcast_in_dim3A_153 {offsets = [0, 0], sizes = [1, 64], strides = [1, 1]} : vector<1x128xf32> to vector<1x64xf32>
    %concatenate3A_156 = tpu.concatenate %slice3A_154, %slice3A_155 in 1 : vector<1x64xf32>, vector<1x64xf32> -> vector<1x128xf32>
    %max3A_157 = arith.maximumf %broadcast_in_dim3A_153, %concatenate3A_156 : vector<1x128xf32>
    %ge3A_158 = vector.broadcast %max3A_157 : vector<1x128xf32> to vector<256x128xf32>
    %ge3A_159 = arith.cmpf oge, %min3A_32, %ge3A_158 : vector<256x128xf32>
    %convert_element_type3A_160 = arith.extui %ge3A_159 : vector<256x128xi1> to vector<256x128xi32>
    %reduce_sum3A_161 = arith.constant dense<0> : vector<128xi32>
    %reduce_sum3A_162 = vector.multi_reduction <add>, %convert_element_type3A_160, %reduce_sum3A_161 [0] : vector<256x128xi32> to vector<128xi32>
    %broadcast_in_dim3A_163 = vector.shape_cast %reduce_sum3A_162 : vector<128xi32> to vector<1x128xi32>
    %slice3A_164 = vector.extract_strided_slice %broadcast_in_dim3A_163 {offsets = [0, 64], sizes = [1, 64], strides = [1, 1]} : vector<1x128xi32> to vector<1x64xi32>
    %slice3A_165 = vector.extract_strided_slice %broadcast_in_dim3A_163 {offsets = [0, 0], sizes = [1, 64], strides = [1, 1]} : vector<1x128xi32> to vector<1x64xi32>
    %concatenate3A_166 = tpu.concatenate %slice3A_164, %slice3A_165 in 1 : vector<1x64xi32>, vector<1x64xi32> -> vector<1x128xi32>
    %add3A_167 = arith.addi %broadcast_in_dim3A_163, %concatenate3A_166 : vector<1x128xi32>
    %lt3A_168 = arith.constant 8 : i32
    %lt3A_169 = vector.broadcast %lt3A_168 : i32 to vector<1x128xi32>
    %lt3A_170 = arith.cmpi slt, %select_n3A_145, %lt3A_169 : vector<1x128xi32>
    %select_n3A_171 = arith.select %lt3A_170, %select_n3A_145, %select_n3A_143 : vector<1x128xi1>, vector<1x128xi32>
    %select_n3A_172 = arith.select %lt3A_170, %max3A_157, %select_n3A_144 : vector<1x128xi1>, vector<1x128xf32>
    %select_n3A_173 = arith.select %lt3A_170, %add3A_167, %select_n3A_145 : vector<1x128xi1>, vector<1x128xi32>
    %lt3A_174 = vector.broadcast %select_n3A_172 : vector<1x128xf32> to vector<256x128xf32>
    %lt3A_175 = arith.cmpf olt, %min3A_32, %lt3A_174 : vector<256x128xf32>
    %jit3A_176 = arith.constant -1.000000e+00 : f32
    %broadcast_in_dim3A_177 = vector.broadcast %jit3A_176 : f32 to vector<256x128xf32>
    %select_n3A_178 = arith.select %lt3A_175, %min3A_32, %broadcast_in_dim3A_177 : vector<256x128xi1>, vector<256x128xf32>
    %reduce_max3A_179 = arith.constant dense<0xFF800000> : vector<128xf32>
    %reduce_max3A_180 = vector.multi_reduction <maximumf>, %select_n3A_178, %reduce_max3A_179 [0] : vector<256x128xf32> to vector<128xf32>
    %broadcast_in_dim3A_181 = vector.shape_cast %reduce_max3A_180 : vector<128xf32> to vector<1x128xf32>
    %slice3A_182 = vector.extract_strided_slice %broadcast_in_dim3A_181 {offsets = [0, 64], sizes = [1, 64], strides = [1, 1]} : vector<1x128xf32> to vector<1x64xf32>
    %slice3A_183 = vector.extract_strided_slice %broadcast_in_dim3A_181 {offsets = [0, 0], sizes = [1, 64], strides = [1, 1]} : vector<1x128xf32> to vector<1x64xf32>
    %concatenate3A_184 = tpu.concatenate %slice3A_182, %slice3A_183 in 1 : vector<1x64xf32>, vector<1x64xf32> -> vector<1x128xf32>
    %max3A_185 = arith.maximumf %broadcast_in_dim3A_181, %concatenate3A_184 : vector<1x128xf32>
    %ge3A_186 = vector.broadcast %max3A_185 : vector<1x128xf32> to vector<256x128xf32>
    %ge3A_187 = arith.cmpf oge, %min3A_32, %ge3A_186 : vector<256x128xf32>
    %convert_element_type3A_188 = arith.extui %ge3A_187 : vector<256x128xi1> to vector<256x128xi32>
    %reduce_sum3A_189 = arith.constant dense<0> : vector<128xi32>
    %reduce_sum3A_190 = vector.multi_reduction <add>, %convert_element_type3A_188, %reduce_sum3A_189 [0] : vector<256x128xi32> to vector<128xi32>
    %broadcast_in_dim3A_191 = vector.shape_cast %reduce_sum3A_190 : vector<128xi32> to vector<1x128xi32>
    %slice3A_192 = vector.extract_strided_slice %broadcast_in_dim3A_191 {offsets = [0, 64], sizes = [1, 64], strides = [1, 1]} : vector<1x128xi32> to vector<1x64xi32>
    %slice3A_193 = vector.extract_strided_slice %broadcast_in_dim3A_191 {offsets = [0, 0], sizes = [1, 64], strides = [1, 1]} : vector<1x128xi32> to vector<1x64xi32>
    %concatenate3A_194 = tpu.concatenate %slice3A_192, %slice3A_193 in 1 : vector<1x64xi32>, vector<1x64xi32> -> vector<1x128xi32>
    %add3A_195 = arith.addi %broadcast_in_dim3A_191, %concatenate3A_194 : vector<1x128xi32>
    %lt3A_196 = arith.constant 8 : i32
    %lt3A_197 = vector.broadcast %lt3A_196 : i32 to vector<1x128xi32>
    %lt3A_198 = arith.cmpi slt, %select_n3A_173, %lt3A_197 : vector<1x128xi32>
    %select_n3A_199 = arith.select %lt3A_198, %select_n3A_173, %select_n3A_171 : vector<1x128xi1>, vector<1x128xi32>
    %select_n3A_200 = arith.select %lt3A_198, %max3A_185, %select_n3A_172 : vector<1x128xi1>, vector<1x128xf32>
    %select_n3A_201 = arith.select %lt3A_198, %add3A_195, %select_n3A_173 : vector<1x128xi1>, vector<1x128xi32>
    %lt3A_202 = vector.broadcast %select_n3A_200 : vector<1x128xf32> to vector<256x128xf32>
    %lt3A_203 = arith.cmpf olt, %min3A_32, %lt3A_202 : vector<256x128xf32>
    %jit3A_204 = arith.constant -1.000000e+00 : f32
    %broadcast_in_dim3A_205 = vector.broadcast %jit3A_204 : f32 to vector<256x128xf32>
    %select_n3A_206 = arith.select %lt3A_203, %min3A_32, %broadcast_in_dim3A_205 : vector<256x128xi1>, vector<256x128xf32>
    %reduce_max3A_207 = arith.constant dense<0xFF800000> : vector<128xf32>
    %reduce_max3A_208 = vector.multi_reduction <maximumf>, %select_n3A_206, %reduce_max3A_207 [0] : vector<256x128xf32> to vector<128xf32>
    %broadcast_in_dim3A_209 = vector.shape_cast %reduce_max3A_208 : vector<128xf32> to vector<1x128xf32>
    %slice3A_210 = vector.extract_strided_slice %broadcast_in_dim3A_209 {offsets = [0, 64], sizes = [1, 64], strides = [1, 1]} : vector<1x128xf32> to vector<1x64xf32>
    %slice3A_211 = vector.extract_strided_slice %broadcast_in_dim3A_209 {offsets = [0, 0], sizes = [1, 64], strides = [1, 1]} : vector<1x128xf32> to vector<1x64xf32>
    %concatenate3A_212 = tpu.concatenate %slice3A_210, %slice3A_211 in 1 : vector<1x64xf32>, vector<1x64xf32> -> vector<1x128xf32>
    %max3A_213 = arith.maximumf %broadcast_in_dim3A_209, %concatenate3A_212 : vector<1x128xf32>
    %ge3A_214 = vector.broadcast %max3A_213 : vector<1x128xf32> to vector<256x128xf32>
    %ge3A_215 = arith.cmpf oge, %min3A_32, %ge3A_214 : vector<256x128xf32>
    %convert_element_type3A_216 = arith.extui %ge3A_215 : vector<256x128xi1> to vector<256x128xi32>
    %reduce_sum3A_217 = arith.constant dense<0> : vector<128xi32>
    %reduce_sum3A_218 = vector.multi_reduction <add>, %convert_element_type3A_216, %reduce_sum3A_217 [0] : vector<256x128xi32> to vector<128xi32>
    %broadcast_in_dim3A_219 = vector.shape_cast %reduce_sum3A_218 : vector<128xi32> to vector<1x128xi32>
    %slice3A_220 = vector.extract_strided_slice %broadcast_in_dim3A_219 {offsets = [0, 64], sizes = [1, 64], strides = [1, 1]} : vector<1x128xi32> to vector<1x64xi32>
    %slice3A_221 = vector.extract_strided_slice %broadcast_in_dim3A_219 {offsets = [0, 0], sizes = [1, 64], strides = [1, 1]} : vector<1x128xi32> to vector<1x64xi32>
    %concatenate3A_222 = tpu.concatenate %slice3A_220, %slice3A_221 in 1 : vector<1x64xi32>, vector<1x64xi32> -> vector<1x128xi32>
    %add3A_223 = arith.addi %broadcast_in_dim3A_219, %concatenate3A_222 : vector<1x128xi32>
    %lt3A_224 = arith.constant 8 : i32
    %lt3A_225 = vector.broadcast %lt3A_224 : i32 to vector<1x128xi32>
    %lt3A_226 = arith.cmpi slt, %select_n3A_201, %lt3A_225 : vector<1x128xi32>
    %select_n3A_227 = arith.select %lt3A_226, %select_n3A_201, %select_n3A_199 : vector<1x128xi1>, vector<1x128xi32>
    %select_n3A_228 = arith.select %lt3A_226, %max3A_213, %select_n3A_200 : vector<1x128xi1>, vector<1x128xf32>
    %select_n3A_229 = arith.select %lt3A_226, %add3A_223, %select_n3A_201 : vector<1x128xi1>, vector<1x128xi32>
    %lt3A_230 = vector.broadcast %select_n3A_228 : vector<1x128xf32> to vector<256x128xf32>
    %lt3A_231 = arith.cmpf olt, %min3A_32, %lt3A_230 : vector<256x128xf32>
    %jit3A_232 = arith.constant -1.000000e+00 : f32
    %broadcast_in_dim3A_233 = vector.broadcast %jit3A_232 : f32 to vector<256x128xf32>
    %select_n3A_234 = arith.select %lt3A_231, %min3A_32, %broadcast_in_dim3A_233 : vector<256x128xi1>, vector<256x128xf32>
    %reduce_max3A_235 = arith.constant dense<0xFF800000> : vector<128xf32>
    %reduce_max3A_236 = vector.multi_reduction <maximumf>, %select_n3A_234, %reduce_max3A_235 [0] : vector<256x128xf32> to vector<128xf32>
    %broadcast_in_dim3A_237 = vector.shape_cast %reduce_max3A_236 : vector<128xf32> to vector<1x128xf32>
    %slice3A_238 = vector.extract_strided_slice %broadcast_in_dim3A_237 {offsets = [0, 64], sizes = [1, 64], strides = [1, 1]} : vector<1x128xf32> to vector<1x64xf32>
    %slice3A_239 = vector.extract_strided_slice %broadcast_in_dim3A_237 {offsets = [0, 0], sizes = [1, 64], strides = [1, 1]} : vector<1x128xf32> to vector<1x64xf32>
    %concatenate3A_240 = tpu.concatenate %slice3A_238, %slice3A_239 in 1 : vector<1x64xf32>, vector<1x64xf32> -> vector<1x128xf32>
    %max3A_241 = arith.maximumf %broadcast_in_dim3A_237, %concatenate3A_240 : vector<1x128xf32>
    %lt3A_242 = arith.constant 8 : i32
    %lt3A_243 = vector.broadcast %lt3A_242 : i32 to vector<1x128xi32>
    %lt3A_244 = arith.cmpi slt, %select_n3A_229, %lt3A_243 : vector<1x128xi32>
    %select_n3A_245 = arith.select %lt3A_244, %select_n3A_229, %select_n3A_227 : vector<1x128xi1>, vector<1x128xi32>
    %select_n3A_246 = arith.select %lt3A_244, %max3A_241, %select_n3A_228 : vector<1x128xi1>, vector<1x128xf32>
    %sub3A = arith.constant 8 : i32
    %sub3A_247 = vector.broadcast %sub3A : i32 to vector<1x128xi32>
    %sub3A_248 = arith.subi %sub3A_247, %select_n3A_245 : vector<1x128xi32>
    %broadcast_in_dim3A_249 = arith.constant 0.000000e+00 : f32
    %broadcast_in_dim3A_250 = vector.broadcast %broadcast_in_dim3A_249 : f32 to vector<32x128xf32>
    %broadcast_in_dim3A_251 = arith.constant 4096 : i32
    %broadcast_in_dim3A_252 = vector.broadcast %broadcast_in_dim3A_251 : i32 to vector<32x128xi32>
    %broadcast_in_dim3A_253 = arith.constant 4096 : i32
    %broadcast_in_dim3A_254 = vector.broadcast %broadcast_in_dim3A_253 : i32 to vector<32x128xi32>
    %broadcast_in_dim3A_255 = arith.constant 4096 : i32
    %broadcast_in_dim3A_256 = vector.broadcast %broadcast_in_dim3A_255 : i32 to vector<32x128xi32>
    %broadcast_in_dim3A_257 = arith.constant 4096 : i32
    %broadcast_in_dim3A_258 = vector.broadcast %broadcast_in_dim3A_257 : i32 to vector<32x128xi32>
    %broadcast_in_dim3A_259 = arith.constant 4096 : i32
    %broadcast_in_dim3A_260 = vector.broadcast %broadcast_in_dim3A_259 : i32 to vector<32x128xi32>
    %broadcast_in_dim3A_261 = arith.constant 4096 : i32
    %broadcast_in_dim3A_262 = vector.broadcast %broadcast_in_dim3A_261 : i32 to vector<32x128xi32>
    %broadcast_in_dim3A_263 = arith.constant 4096 : i32
    %broadcast_in_dim3A_264 = vector.broadcast %broadcast_in_dim3A_263 : i32 to vector<32x128xi32>
    %broadcast_in_dim3A_265 = arith.constant 4096 : i32
    %broadcast_in_dim3A_266 = vector.broadcast %broadcast_in_dim3A_265 : i32 to vector<32x128xi32>
    %scan3A_267 = arith.constant 0 : i32
    %scan3A_268 = arith.constant 64 : i32
    %scan3A_269 = arith.addi %scan3A_267, %scan3A_268 : i32
    %scan3A_270 = arith.constant 1 : i32
    %scan3A_271:9 = scf.for %scan3A_448 = %scan3A_267 to %scan3A_269 step %scan3A_270 iter_args(%scan3A_449 = %broadcast_in_dim3A_250, %scan3A_450 = %broadcast_in_dim3A_252, %scan3A_451 = %broadcast_in_dim3A_254, %scan3A_452 = %broadcast_in_dim3A_256, %scan3A_453 = %broadcast_in_dim3A_258, %scan3A_454 = %broadcast_in_dim3A_260, %scan3A_455 = %broadcast_in_dim3A_262, %scan3A_456 = %broadcast_in_dim3A_264, %scan3A_457 = %broadcast_in_dim3A_266) -> (vector<32x128xf32>, vector<32x128xi32>, vector<32x128xi32>, vector<32x128xi32>, vector<32x128xi32>, vector<32x128xi32>, vector<32x128xi32>, vector<32x128xi32>, vector<32x128xi32>)  : i32 {
      %mul3A = arith.constant 32 : i32
      %mul3A_458 = arith.muli %scan3A_448, %mul3A : i32
      %get3A_459 = arith.constant 0 : index
      %get3A_460 = arith.index_cast %mul3A_458 : i32 to index
      %get3A_461 = arith.constant 0 : index
      %get3A_462 = vector.load %arg1[%get3A_459, %get3A_460, %get3A_461] : memref<1x2048x128xf32, #tpu.memory_space<vmem>>, vector<1x32x128xf32>
      %get3A_463 = vector.shape_cast %get3A_462 : vector<1x32x128xf32> to vector<32x128xf32>
      %mul3A_464 = arith.constant 32 : i32
      %mul3A_465 = arith.muli %scan3A_448, %mul3A_464 : i32
      %get3A_466 = arith.index_cast %mul3A_465 : i32 to index
      %get3A_467 = arith.constant 0 : index
      %get3A_468 = vector.load %arg2[%get3A_466, %get3A_467] : memref<2048x128xi32, #tpu.memory_space<vmem>>, vector<32x128xi32>
      %add3A_469 = arith.constant 9.99999968E-21 : f32
      %add3A_470 = vector.broadcast %add3A_469 : f32 to vector<1x128xf32>
      %add3A_471 = arith.addf %add3A, %add3A_470 : vector<1x128xf32>
      %div3A_472 = vector.broadcast %add3A_471 : vector<1x128xf32> to vector<32x128xf32>
      %div3A_473 = arith.divf %get3A_463, %div3A_472 : vector<32x128xf32>
      %jit3A_474 = arith.constant 1.000000e-03 : f32
      %jit3A_475 = arith.constant 9.990000e-01 : f32
      %max3A_476 = vector.broadcast %jit3A_474 : f32 to vector<32x128xf32>
      %max3A_477 = arith.maximumf %max3A_476, %div3A_473 : vector<32x128xf32>
      %min3A_478 = vector.broadcast %jit3A_475 : f32 to vector<32x128xf32>
      %min3A_479 = arith.minimumf %min3A_478, %max3A_477 : vector<32x128xf32>
      %mul3A_480 = arith.constant 32 : i32
      %mul3A_481 = arith.muli %scan3A_448, %mul3A_480 : i32
      %swap3A_482 = arith.constant 0 : index
      %swap3A_483 = arith.index_cast %mul3A_481 : i32 to index
      %swap3A_484 = arith.constant 0 : index
      %swap3A_485 = vector.load %arg6[%swap3A_482, %swap3A_483, %swap3A_484] : memref<1x2048x128xf32, #tpu.memory_space<vmem>>, vector<1x32x128xf32>
      %swap3A_486 = vector.shape_cast %swap3A_485 : vector<1x32x128xf32> to vector<32x128xf32>
      %swap3A_487 = vector.shape_cast %min3A_479 : vector<32x128xf32> to vector<1x32x128xf32>
      tpu.vector_store %arg6[%swap3A_482, %swap3A_483, %swap3A_484], %swap3A_487 {strides = array<i32>} : memref<1x2048x128xf32, #tpu.memory_space<vmem>>, vector<1x32x128xf32>,
      %log3A_488 = math.log %min3A_479 : vector<32x128xf32>
      %mul3A_489 = arith.mulf %min3A_479, %log3A_488 : vector<32x128xf32>
      %sub3A_490 = arith.subf %scan3A_449, %mul3A_489 : vector<32x128xf32>
      %eq3A_491 = vector.broadcast %select_n3A_246 : vector<1x128xf32> to vector<32x128xf32>
      %eq3A_492 = arith.cmpf oeq, %min3A_479, %eq3A_491 : vector<32x128xf32>
      %jit3A_493 = arith.constant 4096 : i32
      %broadcast_in_dim3A_494 = vector.broadcast %jit3A_493 : i32 to vector<32x128xi32>
      %select_n3A_495 = arith.select %eq3A_492, %get3A_468, %broadcast_in_dim3A_494 : vector<32x128xi1>, vector<32x128xi32>
      %min3A_496 = arith.minsi %scan3A_450, %select_n3A_495 : vector<32x128xi32>
      %max3A_497 = arith.maxsi %scan3A_450, %select_n3A_495 : vector<32x128xi32>
      %min3A_498 = arith.minsi %scan3A_451, %max3A_497 : vector<32x128xi32>
      %max3A_499 = arith.maxsi %scan3A_451, %max3A_497 : vector<32x128xi32>
      %min3A_500 = arith.minsi %scan3A_452, %max3A_499 : vector<32x128xi32>
      %max3A_501 = arith.maxsi %scan3A_452, %max3A_499 : vector<32x128xi32>
      %min3A_502 = arith.minsi %scan3A_453, %max3A_501 : vector<32x128xi32>
      %max3A_503 = arith.maxsi %scan3A_453, %max3A_501 : vector<32x128xi32>
      %min3A_504 = arith.minsi %scan3A_454, %max3A_503 : vector<32x128xi32>
      %max3A_505 = arith.maxsi %scan3A_454, %max3A_503 : vector<32x128xi32>
      %min3A_506 = arith.minsi %scan3A_455, %max3A_505 : vector<32x128xi32>
      %max3A_507 = arith.maxsi %scan3A_455, %max3A_505 : vector<32x128xi32>
      %min3A_508 = arith.minsi %scan3A_456, %max3A_507 : vector<32x128xi32>
      %max3A_509 = arith.maxsi %scan3A_456, %max3A_507 : vector<32x128xi32>
      %min3A_510 = arith.minsi %scan3A_457, %max3A_509 : vector<32x128xi32>
      scf.yield %sub3A_490, %min3A_496, %min3A_498, %min3A_500, %min3A_502, %min3A_504, %min3A_506, %min3A_508, %min3A_510 : vector<32x128xf32>, vector<32x128xi32>, vector<32x128xi32>, vector<32x128xi32>, vector<32x128xi32>, vector<32x128xi32>, vector<32x128xi32>, vector<32x128xi32>, vector<32x128xi32>
    }
    %scan3A_272 = arith.constant 64 : i32
    %reduce_sum3A_273 = vector.shape_cast %scan3A_271#0 : vector<32x128xf32> to vector<1x32x128xf32>
    %reduce_sum3A_274 = arith.constant dense<0.000000e+00> : vector<1xf32>
    %reduce_sum3A_275 = vector.multi_reduction <add>, %reduce_sum3A_273, %reduce_sum3A_274 [1, 2] : vector<1x32x128xf32> to vector<1xf32>
    %reduce_sum3A_276 = vector.shape_cast %reduce_sum3A_275 : vector<1xf32> to vector<1x1x1xf32>
    %reduce_sum3A_277 = vector.extract %reduce_sum3A_276[0, 0, 0] : f32 from vector<1x1x1xf32>
    %div3A_278 = arith.constant 6.400000e+01 : f32
    %div3A_279 = arith.divf %reduce_sum3A_277, %div3A_278 : f32
    %reshape3A = vector.broadcast %div3A_279 : f32 to vector<1x1x1xf32>
    %swap3A = arith.constant 0 : index
    %swap3A_280 = arith.constant 0 : index
    %swap3A_281 = arith.constant 0 : index
    %swap3A_282 = vector.load %arg5[%swap3A, %swap3A_280, %swap3A_281] : memref<1x1x1xf32, #tpu.memory_space<vmem>>, vector<1x1x1xf32>
    tpu.vector_store %arg5[%swap3A, %swap3A_280, %swap3A_281], %reshape3A {strides = array<i32>} : memref<1x1x1xf32, #tpu.memory_space<vmem>>, vector<1x1x1xf32>,
    %concatenate3A_283 = tpu.concatenate %scan3A_271#1, %scan3A_271#2, %scan3A_271#3, %scan3A_271#4, %scan3A_271#5, %scan3A_271#6, %scan3A_271#7, %scan3A_271#8 in 0 : vector<32x128xi32>, vector<32x128xi32>, vector<32x128xi32>, vector<32x128xi32>, vector<32x128xi32>, vector<32x128xi32>, vector<32x128xi32>, vector<32x128xi32> -> vector<256x128xi32>
    %broadcast_in_dim3A_284 = arith.constant -1 : i32
    %broadcast_in_dim3A_285 = vector.broadcast %broadcast_in_dim3A_284 : i32 to vector<1x128xi32>
    %broadcast_in_dim3A_286 = arith.constant -1 : i32
    %broadcast_in_dim3A_287 = vector.broadcast %broadcast_in_dim3A_286 : i32 to vector<1x128xi32>
    %gt3A = vector.broadcast %broadcast_in_dim3A_287 : vector<1x128xi32> to vector<256x128xi32>
    %gt3A_288 = arith.cmpi sgt, %concatenate3A_283, %gt3A : vector<256x128xi32>
    %jit3A_289 = arith.constant 4096 : i32
    %broadcast_in_dim3A_290 = vector.broadcast %jit3A_289 : i32 to vector<256x128xi32>
    %select_n3A_291 = arith.select %gt3A_288, %concatenate3A_283, %broadcast_in_dim3A_290 : vector<256x128xi1>, vector<256x128xi32>
    %reduce_min3A = arith.constant dense<2147483647> : vector<128xi32>
    %reduce_min3A_292 = vector.multi_reduction <minsi>, %select_n3A_291, %reduce_min3A [0] : vector<256x128xi32> to vector<128xi32>
    %broadcast_in_dim3A_293 = vector.shape_cast %reduce_min3A_292 : vector<128xi32> to vector<1x128xi32>
    %slice3A_294 = vector.extract_strided_slice %broadcast_in_dim3A_293 {offsets = [0, 64], sizes = [1, 64], strides = [1, 1]} : vector<1x128xi32> to vector<1x64xi32>
    %slice3A_295 = vector.extract_strided_slice %broadcast_in_dim3A_293 {offsets = [0, 0], sizes = [1, 64], strides = [1, 1]} : vector<1x128xi32> to vector<1x64xi32>
    %concatenate3A_296 = tpu.concatenate %slice3A_294, %slice3A_295 in 1 : vector<1x64xi32>, vector<1x64xi32> -> vector<1x128xi32>
    %min3A_297 = arith.minsi %broadcast_in_dim3A_293, %concatenate3A_296 : vector<1x128xi32>
    %gt3A_298 = arith.constant 0 : i32
    %gt3A_299 = vector.broadcast %gt3A_298 : i32 to vector<1x128xi32>
    %gt3A_300 = arith.cmpi sgt, %sub3A_248, %gt3A_299 : vector<1x128xi32>
    %select_n3A_301 = arith.select %gt3A_300, %min3A_297, %broadcast_in_dim3A_285 : vector<1x128xi1>, vector<1x128xi32>
    %gt3A_302 = vector.broadcast %min3A_297 : vector<1x128xi32> to vector<256x128xi32>
    %gt3A_303 = arith.cmpi sgt, %concatenate3A_283, %gt3A_302 : vector<256x128xi32>
    %jit3A_304 = arith.constant 4096 : i32
    %broadcast_in_dim3A_305 = vector.broadcast %jit3A_304 : i32 to vector<256x128xi32>
    %select_n3A_306 = arith.select %gt3A_303, %concatenate3A_283, %broadcast_in_dim3A_305 : vector<256x128xi1>, vector<256x128xi32>
    %reduce_min3A_307 = arith.constant dense<2147483647> : vector<128xi32>
    %reduce_min3A_308 = vector.multi_reduction <minsi>, %select_n3A_306, %reduce_min3A_307 [0] : vector<256x128xi32> to vector<128xi32>
    %broadcast_in_dim3A_309 = vector.shape_cast %reduce_min3A_308 : vector<128xi32> to vector<1x128xi32>
    %slice3A_310 = vector.extract_strided_slice %broadcast_in_dim3A_309 {offsets = [0, 64], sizes = [1, 64], strides = [1, 1]} : vector<1x128xi32> to vector<1x64xi32>
    %slice3A_311 = vector.extract_strided_slice %broadcast_in_dim3A_309 {offsets = [0, 0], sizes = [1, 64], strides = [1, 1]} : vector<1x128xi32> to vector<1x64xi32>
    %concatenate3A_312 = tpu.concatenate %slice3A_310, %slice3A_311 in 1 : vector<1x64xi32>, vector<1x64xi32> -> vector<1x128xi32>
    %min3A_313 = arith.minsi %broadcast_in_dim3A_309, %concatenate3A_312 : vector<1x128xi32>
    %gt3A_314 = arith.constant 1 : i32
    %gt3A_315 = vector.broadcast %gt3A_314 : i32 to vector<1x128xi32>
    %gt3A_316 = arith.cmpi sgt, %sub3A_248, %gt3A_315 : vector<1x128xi32>
    %select_n3A_317 = arith.select %gt3A_316, %min3A_313, %select_n3A_301 : vector<1x128xi1>, vector<1x128xi32>
    %gt3A_318 = vector.broadcast %min3A_313 : vector<1x128xi32> to vector<256x128xi32>
    %gt3A_319 = arith.cmpi sgt, %concatenate3A_283, %gt3A_318 : vector<256x128xi32>
    %jit3A_320 = arith.constant 4096 : i32
    %broadcast_in_dim3A_321 = vector.broadcast %jit3A_320 : i32 to vector<256x128xi32>
    %select_n3A_322 = arith.select %gt3A_319, %concatenate3A_283, %broadcast_in_dim3A_321 : vector<256x128xi1>, vector<256x128xi32>
    %reduce_min3A_323 = arith.constant dense<2147483647> : vector<128xi32>
    %reduce_min3A_324 = vector.multi_reduction <minsi>, %select_n3A_322, %reduce_min3A_323 [0] : vector<256x128xi32> to vector<128xi32>
    %broadcast_in_dim3A_325 = vector.shape_cast %reduce_min3A_324 : vector<128xi32> to vector<1x128xi32>
    %slice3A_326 = vector.extract_strided_slice %broadcast_in_dim3A_325 {offsets = [0, 64], sizes = [1, 64], strides = [1, 1]} : vector<1x128xi32> to vector<1x64xi32>
    %slice3A_327 = vector.extract_strided_slice %broadcast_in_dim3A_325 {offsets = [0, 0], sizes = [1, 64], strides = [1, 1]} : vector<1x128xi32> to vector<1x64xi32>
    %concatenate3A_328 = tpu.concatenate %slice3A_326, %slice3A_327 in 1 : vector<1x64xi32>, vector<1x64xi32> -> vector<1x128xi32>
    %min3A_329 = arith.minsi %broadcast_in_dim3A_325, %concatenate3A_328 : vector<1x128xi32>
    %gt3A_330 = arith.constant 2 : i32
    %gt3A_331 = vector.broadcast %gt3A_330 : i32 to vector<1x128xi32>
    %gt3A_332 = arith.cmpi sgt, %sub3A_248, %gt3A_331 : vector<1x128xi32>
    %select_n3A_333 = arith.select %gt3A_332, %min3A_329, %select_n3A_317 : vector<1x128xi1>, vector<1x128xi32>
    %gt3A_334 = vector.broadcast %min3A_329 : vector<1x128xi32> to vector<256x128xi32>
    %gt3A_335 = arith.cmpi sgt, %concatenate3A_283, %gt3A_334 : vector<256x128xi32>
    %jit3A_336 = arith.constant 4096 : i32
    %broadcast_in_dim3A_337 = vector.broadcast %jit3A_336 : i32 to vector<256x128xi32>
    %select_n3A_338 = arith.select %gt3A_335, %concatenate3A_283, %broadcast_in_dim3A_337 : vector<256x128xi1>, vector<256x128xi32>
    %reduce_min3A_339 = arith.constant dense<2147483647> : vector<128xi32>
    %reduce_min3A_340 = vector.multi_reduction <minsi>, %select_n3A_338, %reduce_min3A_339 [0] : vector<256x128xi32> to vector<128xi32>
    %broadcast_in_dim3A_341 = vector.shape_cast %reduce_min3A_340 : vector<128xi32> to vector<1x128xi32>
    %slice3A_342 = vector.extract_strided_slice %broadcast_in_dim3A_341 {offsets = [0, 64], sizes = [1, 64], strides = [1, 1]} : vector<1x128xi32> to vector<1x64xi32>
    %slice3A_343 = vector.extract_strided_slice %broadcast_in_dim3A_341 {offsets = [0, 0], sizes = [1, 64], strides = [1, 1]} : vector<1x128xi32> to vector<1x64xi32>
    %concatenate3A_344 = tpu.concatenate %slice3A_342, %slice3A_343 in 1 : vector<1x64xi32>, vector<1x64xi32> -> vector<1x128xi32>
    %min3A_345 = arith.minsi %broadcast_in_dim3A_341, %concatenate3A_344 : vector<1x128xi32>
    %gt3A_346 = arith.constant 3 : i32
    %gt3A_347 = vector.broadcast %gt3A_346 : i32 to vector<1x128xi32>
    %gt3A_348 = arith.cmpi sgt, %sub3A_248, %gt3A_347 : vector<1x128xi32>
    %select_n3A_349 = arith.select %gt3A_348, %min3A_345, %select_n3A_333 : vector<1x128xi1>, vector<1x128xi32>
    %gt3A_350 = vector.broadcast %min3A_345 : vector<1x128xi32> to vector<256x128xi32>
    %gt3A_351 = arith.cmpi sgt, %concatenate3A_283, %gt3A_350 : vector<256x128xi32>
    %jit3A_352 = arith.constant 4096 : i32
    %broadcast_in_dim3A_353 = vector.broadcast %jit3A_352 : i32 to vector<256x128xi32>
    %select_n3A_354 = arith.select %gt3A_351, %concatenate3A_283, %broadcast_in_dim3A_353 : vector<256x128xi1>, vector<256x128xi32>
    %reduce_min3A_355 = arith.constant dense<2147483647> : vector<128xi32>
    %reduce_min3A_356 = vector.multi_reduction <minsi>, %select_n3A_354, %reduce_min3A_355 [0] : vector<256x128xi32> to vector<128xi32>
    %broadcast_in_dim3A_357 = vector.shape_cast %reduce_min3A_356 : vector<128xi32> to vector<1x128xi32>
    %slice3A_358 = vector.extract_strided_slice %broadcast_in_dim3A_357 {offsets = [0, 64], sizes = [1, 64], strides = [1, 1]} : vector<1x128xi32> to vector<1x64xi32>
    %slice3A_359 = vector.extract_strided_slice %broadcast_in_dim3A_357 {offsets = [0, 0], sizes = [1, 64], strides = [1, 1]} : vector<1x128xi32> to vector<1x64xi32>
    %concatenate3A_360 = tpu.concatenate %slice3A_358, %slice3A_359 in 1 : vector<1x64xi32>, vector<1x64xi32> -> vector<1x128xi32>
    %min3A_361 = arith.minsi %broadcast_in_dim3A_357, %concatenate3A_360 : vector<1x128xi32>
    %gt3A_362 = arith.constant 4 : i32
    %gt3A_363 = vector.broadcast %gt3A_362 : i32 to vector<1x128xi32>
    %gt3A_364 = arith.cmpi sgt, %sub3A_248, %gt3A_363 : vector<1x128xi32>
    %select_n3A_365 = arith.select %gt3A_364, %min3A_361, %select_n3A_349 : vector<1x128xi1>, vector<1x128xi32>
    %gt3A_366 = vector.broadcast %min3A_361 : vector<1x128xi32> to vector<256x128xi32>
    %gt3A_367 = arith.cmpi sgt, %concatenate3A_283, %gt3A_366 : vector<256x128xi32>
    %jit3A_368 = arith.constant 4096 : i32
    %broadcast_in_dim3A_369 = vector.broadcast %jit3A_368 : i32 to vector<256x128xi32>
    %select_n3A_370 = arith.select %gt3A_367, %concatenate3A_283, %broadcast_in_dim3A_369 : vector<256x128xi1>, vector<256x128xi32>
    %reduce_min3A_371 = arith.constant dense<2147483647> : vector<128xi32>
    %reduce_min3A_372 = vector.multi_reduction <minsi>, %select_n3A_370, %reduce_min3A_371 [0] : vector<256x128xi32> to vector<128xi32>
    %broadcast_in_dim3A_373 = vector.shape_cast %reduce_min3A_372 : vector<128xi32> to vector<1x128xi32>
    %slice3A_374 = vector.extract_strided_slice %broadcast_in_dim3A_373 {offsets = [0, 64], sizes = [1, 64], strides = [1, 1]} : vector<1x128xi32> to vector<1x64xi32>
    %slice3A_375 = vector.extract_strided_slice %broadcast_in_dim3A_373 {offsets = [0, 0], sizes = [1, 64], strides = [1, 1]} : vector<1x128xi32> to vector<1x64xi32>
    %concatenate3A_376 = tpu.concatenate %slice3A_374, %slice3A_375 in 1 : vector<1x64xi32>, vector<1x64xi32> -> vector<1x128xi32>
    %min3A_377 = arith.minsi %broadcast_in_dim3A_373, %concatenate3A_376 : vector<1x128xi32>
    %gt3A_378 = arith.constant 5 : i32
    %gt3A_379 = vector.broadcast %gt3A_378 : i32 to vector<1x128xi32>
    %gt3A_380 = arith.cmpi sgt, %sub3A_248, %gt3A_379 : vector<1x128xi32>
    %select_n3A_381 = arith.select %gt3A_380, %min3A_377, %select_n3A_365 : vector<1x128xi1>, vector<1x128xi32>
    %gt3A_382 = vector.broadcast %min3A_377 : vector<1x128xi32> to vector<256x128xi32>
    %gt3A_383 = arith.cmpi sgt, %concatenate3A_283, %gt3A_382 : vector<256x128xi32>
    %jit3A_384 = arith.constant 4096 : i32
    %broadcast_in_dim3A_385 = vector.broadcast %jit3A_384 : i32 to vector<256x128xi32>
    %select_n3A_386 = arith.select %gt3A_383, %concatenate3A_283, %broadcast_in_dim3A_385 : vector<256x128xi1>, vector<256x128xi32>
    %reduce_min3A_387 = arith.constant dense<2147483647> : vector<128xi32>
    %reduce_min3A_388 = vector.multi_reduction <minsi>, %select_n3A_386, %reduce_min3A_387 [0] : vector<256x128xi32> to vector<128xi32>
    %broadcast_in_dim3A_389 = vector.shape_cast %reduce_min3A_388 : vector<128xi32> to vector<1x128xi32>
    %slice3A_390 = vector.extract_strided_slice %broadcast_in_dim3A_389 {offsets = [0, 64], sizes = [1, 64], strides = [1, 1]} : vector<1x128xi32> to vector<1x64xi32>
    %slice3A_391 = vector.extract_strided_slice %broadcast_in_dim3A_389 {offsets = [0, 0], sizes = [1, 64], strides = [1, 1]} : vector<1x128xi32> to vector<1x64xi32>
    %concatenate3A_392 = tpu.concatenate %slice3A_390, %slice3A_391 in 1 : vector<1x64xi32>, vector<1x64xi32> -> vector<1x128xi32>
    %min3A_393 = arith.minsi %broadcast_in_dim3A_389, %concatenate3A_392 : vector<1x128xi32>
    %gt3A_394 = arith.constant 6 : i32
    %gt3A_395 = vector.broadcast %gt3A_394 : i32 to vector<1x128xi32>
    %gt3A_396 = arith.cmpi sgt, %sub3A_248, %gt3A_395 : vector<1x128xi32>
    %select_n3A_397 = arith.select %gt3A_396, %min3A_393, %select_n3A_381 : vector<1x128xi1>, vector<1x128xi32>
    %gt3A_398 = vector.broadcast %min3A_393 : vector<1x128xi32> to vector<256x128xi32>
    %gt3A_399 = arith.cmpi sgt, %concatenate3A_283, %gt3A_398 : vector<256x128xi32>
    %jit3A_400 = arith.constant 4096 : i32
    %broadcast_in_dim3A_401 = vector.broadcast %jit3A_400 : i32 to vector<256x128xi32>
    %select_n3A_402 = arith.select %gt3A_399, %concatenate3A_283, %broadcast_in_dim3A_401 : vector<256x128xi1>, vector<256x128xi32>
    %reduce_min3A_403 = arith.constant dense<2147483647> : vector<128xi32>
    %reduce_min3A_404 = vector.multi_reduction <minsi>, %select_n3A_402, %reduce_min3A_403 [0] : vector<256x128xi32> to vector<128xi32>
    %broadcast_in_dim3A_405 = vector.shape_cast %reduce_min3A_404 : vector<128xi32> to vector<1x128xi32>
    %slice3A_406 = vector.extract_strided_slice %broadcast_in_dim3A_405 {offsets = [0, 64], sizes = [1, 64], strides = [1, 1]} : vector<1x128xi32> to vector<1x64xi32>
    %slice3A_407 = vector.extract_strided_slice %broadcast_in_dim3A_405 {offsets = [0, 0], sizes = [1, 64], strides = [1, 1]} : vector<1x128xi32> to vector<1x64xi32>
    %concatenate3A_408 = tpu.concatenate %slice3A_406, %slice3A_407 in 1 : vector<1x64xi32>, vector<1x64xi32> -> vector<1x128xi32>
    %min3A_409 = arith.minsi %broadcast_in_dim3A_405, %concatenate3A_408 : vector<1x128xi32>
    %gt3A_410 = arith.constant 7 : i32
    %gt3A_411 = vector.broadcast %gt3A_410 : i32 to vector<1x128xi32>
    %gt3A_412 = arith.cmpi sgt, %sub3A_248, %gt3A_411 : vector<1x128xi32>
    %select_n3A_413 = arith.select %gt3A_412, %min3A_409, %select_n3A_397 : vector<1x128xi1>, vector<1x128xi32>
    %get3A = arith.constant 0 : index
    %get3A_414 = arith.constant 0 : index
    %get3A_415 = arith.constant 0 : index
    %get3A_416 = vector.load %arg6[%get3A, %get3A_414, %get3A_415] : memref<1x2048x128xf32, #tpu.memory_space<vmem>>, vector<1x2048x128xf32>
    %get3A_417 = vector.shape_cast %get3A_416 : vector<1x2048x128xf32> to vector<2048x128xf32>
    %get3A_418 = arith.constant 0 : index
    %get3A_419 = arith.constant 0 : index
    %get3A_420 = vector.load %arg2[%get3A_418, %get3A_419] : memref<2048x128xi32, #tpu.memory_space<vmem>>, vector<2048x128xi32>
    %gt3A_421 = vector.broadcast %select_n3A_246 : vector<1x128xf32> to vector<2048x128xf32>
    %gt3A_422 = arith.cmpf ogt, %get3A_417, %gt3A_421 : vector<2048x128xf32>
    %eq3A = vector.broadcast %select_n3A_246 : vector<1x128xf32> to vector<2048x128xf32>
    %eq3A_423 = arith.cmpf oeq, %get3A_417, %eq3A : vector<2048x128xf32>
    %le3A = vector.broadcast %select_n3A_413 : vector<1x128xi32> to vector<2048x128xi32>
    %le3A_424 = arith.cmpi sle, %get3A_420, %le3A : vector<2048x128xi32>
    %and3A = arith.andi %eq3A_423, %le3A_424 : vector<2048x128xi1>
    %or3A = arith.ori %gt3A_422, %and3A : vector<2048x128xi1>
    %gt3A_425 = arith.constant 3.05175781E-5 : f32
    %gt3A_426 = vector.broadcast %gt3A_425 : f32 to vector<2048x128xf32>
    %gt3A_427 = arith.cmpf ogt, %get3A_417, %gt3A_426 : vector<2048x128xf32>
    %and3A_428 = arith.andi %or3A, %gt3A_427 : vector<2048x128xi1>
    %convert_element_type3A_429 = arith.extui %and3A_428 : vector<2048x128xi1> to vector<2048x128xi32>
    %swap3A_430 = arith.constant 0 : index
    %swap3A_431 = arith.constant 0 : index
    %swap3A_432 = arith.constant 0 : index
    %swap3A_433 = vector.load %arg4[%swap3A_430, %swap3A_431, %swap3A_432] : memref<1x2048x128xi32, #tpu.memory_space<vmem>>, vector<1x2048x128xi32>
    %swap3A_434 = vector.shape_cast %swap3A_433 : vector<1x2048x128xi32> to vector<2048x128xi32>
    %swap3A_435 = vector.shape_cast %convert_element_type3A_429 : vector<2048x128xi32> to vector<1x2048x128xi32>
    tpu.vector_store %arg4[%swap3A_430, %swap3A_431, %swap3A_432], %swap3A_435 {strides = array<i32>} : memref<1x2048x128xi32, #tpu.memory_space<vmem>>, vector<1x2048x128xi32>,
    %eq3A_436 = arith.constant 1 : i32
    %eq3A_437 = vector.broadcast %eq3A_436 : i32 to vector<2048x128xi32>
    %eq3A_438 = arith.cmpi eq, %convert_element_type3A_429, %eq3A_437 : vector<2048x128xi32>
    %log3A = math.log %get3A_417 : vector<2048x128xf32>
    %jit3A_439 = arith.constant 0.000000e+00 : f32
    %broadcast_in_dim3A_440 = vector.broadcast %jit3A_439 : f32 to vector<2048x128xf32>
    %select_n3A_441 = arith.select %eq3A_438, %log3A, %broadcast_in_dim3A_440 : vector<2048x128xi1>, vector<2048x128xf32>
    %swap3A_442 = arith.constant 0 : index
    %swap3A_443 = arith.constant 0 : index
    %swap3A_444 = arith.constant 0 : index
    %swap3A_445 = vector.load %arg3[%swap3A_442, %swap3A_443, %swap3A_444] : memref<1x2048x128xf32, #tpu.memory_space<vmem>>, vector<1x2048x128xf32>
    %swap3A_446 = vector.shape_cast %swap3A_445 : vector<1x2048x128xf32> to vector<2048x128xf32>
    %swap3A_447 = vector.shape_cast %select_n3A_441 : vector<2048x128xf32> to vector<1x2048x128xf32>
    tpu.vector_store %arg3[%swap3A_442, %swap3A_443, %swap3A_444], %swap3A_447 {strides = array<i32>} : memref<1x2048x128xf32, #tpu.memory_space<vmem>>, vector<1x2048x128xf32>,
    return
  }
  func.func @transform_0(%arg0: i32) -> (i32, i32, i32) {
    %c0_i32 = arith.constant 0 : i32
    %c0_i32_0 = arith.constant 0 : i32
    %c0_i32_1 = arith.constant 0 : i32
    return %arg0, %c0_i32, %c0_i32_0 : i32, i32, i32
  }
  func.func @transform_1(%arg0: i32) -> (i32, i32) {
    %c0_i32 = arith.constant 0 : i32
    %c0_i32_0 = arith.constant 0 : i32
    %c0_i32_1 = arith.constant 0 : i32
    return %c0_i32, %c0_i32_0 : i32, i32
  }
  func.func @transform_2(%arg0: i32) -> (i32, i32, i32) {
    %c0_i32 = arith.constant 0 : i32
    %c0_i32_0 = arith.constant 0 : i32
    %c0_i32_1 = arith.constant 0 : i32
    return %arg0, %c0_i32, %c0_i32_0 : i32, i32, i32
  }
  func.func @transform_3(%arg0: i32) -> (i32, i32, i32) {
    %c0_i32 = arith.constant 0 : i32
    %c0_i32_0 = arith.constant 0 : i32
    %c0_i32_1 = arith.constant 0 : i32
    return %arg0, %c0_i32, %c0_i32_0 : i32, i32, i32
  }
  func.func @transform_4(%arg0: i32) -> (i32, i32, i32) {
    %c0_i32 = arith.constant 0 : i32
    %c0_i32_0 = arith.constant 0 : i32
    %c0_i32_1 = arith.constant 0 : i32
    return %arg0, %c0_i32, %c0_i32_0 : i32, i32, i32
  }
  func.func @transform_5(%arg0: i32) -> (i32, i32, i32) {
    %c0_i32 = arith.constant 0 : i32
    %c0_i32_0 = arith.constant 0 : i32
    %c0_i32_1 = arith.constant 0 : i32
    return %arg0, %c0_i32, %c0_i32_0 : i32, i32, i32
  }
}

</mosaic_0001>

<sc_bundles>
// kernel: sparse-core-data-format-call.1.cloned.1.call-start
scs
called_computation.1_lowered:
.L_overlay_start_0:
0x0: {  	s2 =	sld [smem:$0x3FD9]  }
0x1: {  	s3 =	sld [smem:$0x3FFE];
	_ =	sdelay $0x1  }
0x2: {  	s1 =	srdreg.scid  }
0x3: {  	s0 =	sand.u32 $0x1, s1  }
0x4: {  	s16 =	sshll.u32 s0, $0xA;
	s2 =	sadd.s32 s3, s2  }
0x5: {  	s2 =	sadd.s32 s2, s16  }
0x6: {  	[smem:$0x3FC7] =	sst s2  }
0x7: {  	_ = 	snop  }
0x8: {  	s2 =	sld [smem:$0x3FD0];
	_ =	sdelay $0x2  }
0x9: {  	s17 =	simm.s32 $0xC;
	s4 =	simm.s32 $0x10  }
0xa: {  	[smem:s4], [sflag:s17] =	dma.local [hbm:s2], $0x1  }
0xb: {  	_ =	swait.eq [sflag:s17], $0x1  }
0xc: {  	[sflag:s17] =	ssyncset.done $0x0  }
0xd: {  	[sflag:s17] =	ssyncadd.s32 $0xFFFFFFFF  }
0xe: {  	s18 =	sld [smem:$0x11];
	(tm) =	ssettm $0x1  }
0xf: {  	s19 =	sld [smem:$0x3FFB];
	_ =	sdelay $0x3  }
0x10: {  	_ =	strace s19  }
0x11: {  	s2 =	sld [smem:$0x3FFC];
	_ =	sdelay $0x3  }
0x12: {  	_ =	strace s2  }
0x13: {  	s2 =	sld [smem:$0x3FFD];
	_ =	sdelay $0x3  }
0x14: {  	_ =	strace s2  }
0x15: {  	_ =	strace $0x8FFFFFFF  }
0x16: {  	s20 =	sld [smem:$0x3FDB];
	_ =	sdelay $0x1  }
0x17: {  	s21 =	simm.s32 $_scs_section_size  }
0x18: {  	s5 =	simm.s32 $_size__tile_overlayer_lowered;
	s6 =	simm.s32 $_tile_overlayer_lowered  }
0x19: {  	s7 =	simm.s32 $0x1BFF;
	s22 =	sshll.u32 s6, $0x1;
	s4 =	sadd.s32 s21, s20  }
0x1a: {  	s23 =	simm.s32 $0x0;
	s5 =	sshll.u32 s5, $0x1;
	s6 =	sadd.s32 s22, s4  }
0x1b: {  	[timem:s23], [sflag:s7] =	dma.local [hbm:s6], s5  }
0x1c: {  	_ =	swait.ge [sflag:s7], s5  }
0x1d: {  	s5 =	ssub.s32 $0x0, s5;
	[sflag:s7] =	ssyncset.done $0x0  }
0x1e: {  	[sflag:s7] =	ssyncadd.s32 s5;
	_ =	sdelay $0x1  }
0x1f: {  	s24 =	simm.s32 $0x1B8B  }
0x20: {  	_ =	swait.ge [sflag:s24], $0x1  }
0x21: {  	[sflag:s24] =	ssyncset.done $0x0  }
0x22: {  	[sflag:s24] =	ssyncadd.s32 $0xFFFFFFFF  }
0x23: {  	s5 =	sld [smem:$0x0]  }
0x24: {  	s6 =	sand.u32 $0xFFFFFFFE, s1  }
0x25: {  	p0 =	sne.s32 s1, s6  }
0x26: {  	s6 =	sshll.u32 @p0 s6, $0xE  }
0x27: {  	s6 =	sadd.s32 @p0 $0x11B8D, s6;
	s7 =	sshll.u32 @p0 s5, $0x11  }
0x28: {  	s6 =	sor.u32 @p0 s7, s6  }
0x29: {  	[sflag:s6] =	ssyncadd.remote.s32 @p0 $0x1;
	_ =	sdelay $0x1  }
0x2a: {  	s6 =	simm.s32 @p0 $0x1B8D  }
0x2b: {  	_ =	swait.eq @p0 [sflag:s6], $0x1  }
0x2c: {  	[sflag:s6] =	ssyncadd.s32 @p0 $0xFFFFFFFF  }
0x2d: {  	s7 =	sshll.u32 @!p0 s1, $0xE  }
0x2e: {  	s7 =	sor.u32 @!p0 $0x4000, s7;
	s6 =	simm.s32 @!p0 $0x1B8D  }
0x2f: {  	s5 =	sshll.u32 @!p0 s5, $0x11;
	s7 =	sadd.s32 @!p0 $0x11B8D, s7;
	_ =	swait.eq @!p0 [sflag:s6], $0x1  }
0x30: {  	s5 =	sor.u32 @!p0 s5, s7;
	[sflag:s6] =	ssyncadd.s32 @!p0 $0xFFFFFFFF  }
0x31: {  	s26 =	simm.s32 $0x1B8E;
	s25 =	sld [smem:$0x3FFE];
	[sflag:s5] =	ssyncadd.remote.s32 @!p0 $0x1  }
0x32: {  	s27 =	simm.s32 $execute0_lowered;
	[smem:$0x3FD2] =	sst s26  }
0x33: {  	s6 =	sshll.u32 s27, $0x1;
	_ =	strace $0x80000049;
	[dreg:$0x1] =	wrdreg $0xFFFFFFFF  }
0x34: {  	s28 =	simm.s32 $_size_execute0_lowered;
	s4 =	sadd.s32 s4, s6;
	[dreg:$0x0] =	wrdreg $0x0  }
0x35: {  	s6 =	sshll.u32 s28, $0x1;
	[dreg:$0x2] =	wrdreg s4  }
0x36: {  	[dreg:$0x3] =	wrdreg s6  }
0x37: {  	[dreg:$0x4] =	wrdreg $0xC0  }
0x38: {  	_ =	task [dreg:s23], $0x5FFFF  }
0x39: {  	[dreg:$0x1] =	wrdreg $0xFFFFFFFF  }
0x3a: {  	[dreg:$0x0] =	wrdreg $0x60  }
0x3b: {  	[dreg:$0x2] =	wrdreg s25  }
0x3c: {  	[dreg:$0x3] =	wrdreg s18  }
0x3d: {  	[dreg:$0x4] =	wrdreg $0xA  }
0x3e: {  	_ =	task.clear_ibuf [dreg:s23], $0x5FFFF;
	_ =	strace $0x90000049  }
0x3f: {  	s29 =	simm.s32 $0xA;
	_ =	strace $0x8000004B  }
0x40: {  	_ =	swait.ge [sflag:s29], $0x1  }
0x41: {  	[sflag:s29] =	ssyncadd.s32 $0xFFFFFFFF  }
0x42: {  	_ =	strace $0x9000004B  }
0x43: {  	_ =	sfence  }
0x44: {  	s30 =	sld [smem:$0x0];
	_ =	sdelay $0x2  }
0x45: {  	s31 =	sshll.u32 s1, $0xD;
	s1 =	sshrl.u32 s1, $0x2  }
0x46: {  	s4 =	sand.u32 $0x4000, s31;
	s1 =	sadd.s32 s1, s30  }
0x47: {  	s0 =	sor.u32 s4, s0;
	s1 =	sshll.u32 s1, $0x11  }
0x48: {  	s0 =	sor.u32 s1, s0  }
0x49: {  	s0 =	sadd.s32 $0x8F2B, s0  }
0x4a: {  	[sflag:s0] =	ssyncadd.remote.s32 $0x1  }
0x4b: {  	_ =	sfence.sel $0xFFFF  }
0x4c: {  	[dreg:$0x0] =	wrdreg $0xFFFFFFFF;
	(pc) =	sbr.abs _section_cstart, $3  }
0x4d: {  	[dreg:$0x1] =	wrdreg $0xFFFFFFFF  }
0x4e: {  	_ =	task.clear_ibuf [dreg:s23], $0x2FFFF;
	_ =	strace $0x9FFFFFFF  }
0x4f: {  	(tm) =	ssettm $0x7FFFFFFF  }
tec
execute0_lowered:
.L_overlay_start_1:
0x0: {  	(tag) =	ssettag $0x1  }
0x1: {  	s0 =	srdreg.scid  }
0x2: {  	s7 =	rddreg [dreg:$0x0];
	s1 =	sshll.u32 s0, $0x4  }
0x3: {  	s3 =	rddreg [dreg:$0x1];
	s0 =	stileid.u32;
	s1 =	sand.u32 $0x10, s1  }
0x4: {  	s6 =	simm.s32 $0x1;
	s31 =	simm.s32 $0x2;
	s1 =	sor.u32 s0, s1  }
0x5: {  	s13 =	simm.s32 $0x0;
	s9 =	simm.s32 $0x8000;
	s2 =	sshll.u32 s1, $0x1  }
0x6: {  	s14 =	simm.s32 $0x0;
	s10 =	simm.s32 $0x0;
	s4 =	ssub.s32 $0x40, s2  }
0x7: {  	s12 =	simm.s32 $0x0;
	s1 =	rddreg [dreg:$0x2];
	s5 =	sand.u32 $0x3E, s4  }
.Ltmp0:
0x8: {  	_ =	strace $0x8000004A;
	p0 =	sne.s32 s5, $0x0;
	(pc) =	sbr.rel .LBB1_1-.Ltmp0, $4  }
0x9: {  	s11 =	smov.u32 s2;
	s8 =	sshrl.u32 s4, $0x6;
	s6 =	simm.s32 @!p0 $0x0  }
0xa: {  	s4 =	sadd.s32 $0x601400, s7;
	s5 =	simm.s32 $0x1;
	s6 =	sadd.s32 s6, s8  }
0xb: {  	s7 =	sadd.s32 $0x611400, s7;
	[sflag:s5] =	ssyncpa.u1 $0x0;
	s6 =	sshll.u32 s6, $0x5  }
0xc: {  	p0 =	por $0x0, $0x0;
	[sflag:s31] =	ssyncpa.u1 $0x0;
	s8 =	sor.u32 $0x1, s6  }
.LBB1_7:
0xd: {  	s15 =	sadd.s32 $0x80, s10  }
0xe: {  	s13 =	sadd.s32 $0x40, s11;
	s17 =	smov.u32 s11;
	p2 =	sgt.s32 s15, $0xFFF  }
0xf: {  	s17 =	smov.u32 @p2 s13  }
0x10: {  	s15 =	simm.s32 @p2 $0x0;
	p2 =	sgt.s32 s17, $0x3F  }
0x11: {  	s17 =	smov.u32 @p2 s2;
	p2 =	sne.s32 s12, s8  }
.Ltmp1:
0x12: {  	p1 =	slt.u32 s12, $0x2;
	(pc) =	sbr.rel @!p2 .LBB1_8-.Ltmp1, $4  }
0x13: {  	s16 =	simm.s32 @!p1 $0x2  }
0x14: {  	s14 =	smov.u32 s11;
	p0 =	por !p0, !p0;
	_ =	swait.ge @!p1 [sflag:s16], $0x4000  }
0x15: {  	s13 =	smov.u32 s10;
	[sflag:s16] =	ssyncset.done @!p1 $0x0;
	s10 =	smov.u32 s15  }
0x16: {  	s12 =	sadd.s32 $0x1, s12;
	[sflag:s16] =	ssyncadd.s32 @!p1 $0xFFFFC000;
	s11 =	smov.u32 s17  }
.LBB1_1:
0x17: {  	p1 =	sge.u32 s12, s6  }
0x18: {  	s15 =	sxor.u32 @!p1 $0xFFFFFFFF, s12;
	s16 =	sshll.u32 @!p1 s11, $0x10  }
0x19: {  	s17 =	sshll.u32 @!p1 s10, $0x4;
	s19 =	simm.s32 @!p1 $0x40;
	s20 =	simm.s32 @!p1 $0x80  }
0x1a: {  	s15 =	sshll.u32 @!p1 s15, $0xE;
	s17 =	sand.u32 @!p1 $0xFFF0, s17;
	s18 =	sadd.s32 @!p1 s4, s16  }
0x1b: {  	s16 =	sadd.s32 @!p1 s16, s7;
	s15 =	sand.u32 @!p1 $0x4000, s15;
	s18 =	sadd.s32 @!p1 s17, s18  }
0x1c: {  	[tilespmem:s15], [sflag:$0x1] =	stream.strided.gather @!p1 [hbm4b:s18+s19], $0x2000, s20, s19, $0x38;
	[tilespmem:$0x10100] =	vst v63  }
0x1d: {  	s31 =	sadd.s32 $0xFFFFFFFF, s12;
	s16 =	sadd.s32 @!p1 s17, s16;
	s15 =	sor.u32 @!p1 $0x2000, s15  }
0x1e: {  	[tilespmem:s15], [sflag:$0x1] =	stream.strided.gather @!p1 [hbm4b:s16+s19], $0x2000, s20, s19, $0x38;
	[tilespmem:$0x10100] =	vst v63  }
0x1f: {  	p1 =	sge.u32 s31, s6  }
.Ltmp2:
0x20: {  	_ = 	snop;
	(pc) =	sbr.rel @p1 .LBB1_7-.Ltmp2, $1  }
0x21: {  	_ =	sdelay $0x3  }
0x22: {  	s15 =	simm.s32 $0x1;
	s17 =	sand.u32 $0x1, s12  }
0x23: {  	_ =	swait.ge [sflag:s5], $0x4000;
	s15 =	simm.s32 @!p0 $0x0;
	s17 =	smul.u32 $0x10200, s17  }
0x24: {  	p2 =	por $0x1, $0x1;
	[sflag:s5] =	ssyncset.done $0x0;
	s16 =	smul.u32 $0x10200, s15  }
0x25: {  	s18 =	sshll.u32 s15, $0x10;
	[sflag:s5] =	ssyncadd.s32 $0xFFFFC000;
	s30 =	sshrl.u32 s17, $0x2  }
0x26: {  	s31 =	sshrl.u32 s18, $0x2;
	s18 =	simm.s32 $0x0;
	s16 =	sshrl.u32 s16, $0x2  }
0x27: {  	s15 =	sor.u32 $0x8000, s30;
	s17 =	sadd.s32 $0x20, s31;
	s16 =	sor.u32 $0x8000, s16  }
.LBB1_3:
0x28: {  	s19 =	sshll.u32 s18, $0xD  }
0x29: {  	s19 =	sand.u32 $0x3FFFE000, s19  }
0x2a: {  	s21 =	sadd.s32 s19, s17  }
0x2b: {  	s31 =	smul.u32 $0x8100, s18;
	v3 =	vld [tilespmem:s21+$0x10]  }
0x2c: {  	v1 =	vld [tilespmem:s21+$0xFFFFFFF0]  }
0x2d: {  	s18 =	sshra.s32 s31, $0x2;
	v0 =	vld [tilespmem:s21+$0x0]  }
0x2e: {  	s18 =	sadd.s32 s18, s16;
	v2 =	vld [tilespmem:s21+$0xFFFFFFE0]  }
0x2f: {  	s19 =	sadd.s32 $0x0, s18  }
0x30: {  	p1 =	por p2, p2;
	s20 =	simm.s32 $0x4;
	s21 =	sadd.s32 $0x40, s21;
	[tilespmem:s19+$0x1830 ss:$0x81] =	vst.msk $0xffff, v3  }
.LBB1_4:
0x31: {  	v3 =	vld [tilespmem:s21+$0x10];
	p2 =	sne.s32 s20, $0x1FC;
	[tilespmem:s19+$0x810 ss:$0x81] =	vst.msk $0xffff, v1;
	s22 =	smov.u32 s20;
	s20 =	sadd.s32 $0x4, s20  }
.Ltmp3:
0x32: {  	v1 =	vld [tilespmem:s21+$0xFFFFFFF0];
	[tilespmem:s19+$0x1020 ss:$0x81] =	vst.msk $0xffff, v0;
	(pc) =	sbr.rel @p2 .LBB1_4-.Ltmp3, $4  }
0x33: {  	v0 =	vld [tilespmem:s21+$0x0];
	[tilespmem:s19+$0x0 ss:$0x81] =	vst.msk $0xffff, v2  }
0x34: {  	s19 =	sshra.s32 s22, $0x2;
	v2 =	vld [tilespmem:s21+$0xFFFFFFE0]  }
0x35: {  	s19 =	sadd.s32 s19, s18  }
0x36: {  	s21 =	sadd.s32 $0x40, s21;
	[tilespmem:s19+$0x1830 ss:$0x81] =	vst.msk $0xffff, v3  }
.Ltmp4:
0x37: {  	(pc) =	sbr.rel @p1 .LBB1_3-.Ltmp4, $4  }
0x38: {  	_ = 	snop  }
0x39: {  	[tilespmem:s19+$0x810 ss:$0x81] =	vst.msk $0xffff, v1  }
0x3a: {  	[tilespmem:s19+$0x1020 ss:$0x81] =	vst.msk $0xffff, v0  }
0x3b: {  	s18 =	simm.s32 $0x1;
	p2 =	por $0x0, $0x0;
	[tilespmem:s19+$0x0 ss:$0x81] =	vst.msk $0xffff, v2  }
0x3c: {  	s16 =	sshll.u32 s13, $0x3;
	s17 =	sand.u32 $0x78, s13;
	s14 =	sshll.u32 s14, $0xF  }
.Ltmp5:
0x3d: {  	s30 =	sand.u32 $0x7E00, s13;
	s16 =	sand.u32 $0xC00, s16;
	(pc) =	sbr.rel .LBB1_7-.Ltmp5, $4  }
0x3e: {  	s31 =	sand.u32 $0x7, s13;
	s14 =	sadd.s32 s3, s14;
	s16 =	sor.u32 s17, s16  }
0x3f: {  	s13 =	sshll.u32 s31, $0x12;
	s14 =	sadd.s32 s30, s14;
	s16 =	sshrl.u32 s16, $0x3  }
0x40: {  	s13 =	sor.u32 $0x400, s13;
	s14 =	sadd.s32 s16, s14  }
0x41: {  	[hbm4b:s14+s13] =	stream.strided.scatter [tilespmem:s15], [sflag:$0x2], $0x4000, s9, s13, $0x20;
	[tilespmem:$0x10100] =	vst v63  }
.LBB1_8:
0x42: {  	_ =	sfence.sel $0x180000  }
0x43: {  	s2 =	simm.s32 $0x1;
	[bflag:$0x0] =	sbarrier.arrive $0xFFFF  }
0x44: {  	s31 =	simm.s32 $0x2;
	[sflag:s2] =	ssyncpa.u1 $0x1  }
0x45: {  	[sflag:s31] =	ssyncpa.u1 $0x1  }
0x46: {  	p0 =	sne.s32 s0, $0x0;
	_ =	strace $0x9000004A  }
0x47: {  	s0 =	sadd.s32 @!p0 $0x100000, s1;
	[bflag:$0x2] =	sbarrier.arrive $0xFFFF  }
0x48: {  	[sflag:s0] =	ssyncadd.tile.s32 @!p0 $0x1;
	_ =	shalt  }
.Lfunc_end1:
_tile_overlayer_lowered:
.L_overlay_start_2:
0x49: {  	(tag) =	ssettag $0x2  }
0x4a: {  	s0 =	rddreg [dreg:$0x0];
	s2 =	stileid.u32  }
0x4b: {  	s1 =	rddreg [dreg:$0x1];
	p0 =	sne.s32 s2, $0x0  }
0x4c: {  	s3 =	rddreg [dreg:$0x2];
	[bflag:$0x3] =	sbarrier.arrive $0xFFFF;
	s2 =	simm.s32 @!p0 $0x1C01  }
0x4d: {  	[timem:s3], [sflag:s2] =	dma.local @!p0 [hbm:s0], s1  }
0x4e: {  	s0 =	simm.s32 @!p0 $0x1  }
0x4f: {  	_ =	swait.ge @!p0 [sflag:s0], s1  }
0x50: {  	s1 =	ssub.s32 @!p0 $0x0, s1;
	[sflag:s0] =	ssyncset.done @!p0 $0x0  }
0x51: {  	[sflag:s0] =	ssyncadd.s32 @!p0 s1  }
0x52: {  	[bflag:$0x3] =	sbarrier.arrive $0xFFFF  }
0x53: {  	_ =	shalt  }

// kernel: sparse-core-data-format-call.2.cloned.1.call-start
scs
called_computation.2_lowered:
.L_overlay_start_0:
0x0: {  	s2 =	sld [smem:$0x3FD9]  }
0x1: {  	s3 =	sld [smem:$0x3FFE];
	_ =	sdelay $0x1  }
0x2: {  	s1 =	srdreg.scid  }
0x3: {  	s0 =	sand.u32 $0x1, s1  }
0x4: {  	s15 =	sshll.u32 s0, $0xA;
	s2 =	sadd.s32 s3, s2  }
0x5: {  	s2 =	sadd.s32 s2, s15  }
0x6: {  	[smem:$0x3FC7] =	sst s2  }
0x7: {  	_ = 	snop  }
0x8: {  	s2 =	sld [smem:$0x3FD0];
	_ =	sdelay $0x2  }
0x9: {  	s16 =	simm.s32 $0xC;
	s4 =	simm.s32 $0x10  }
0xa: {  	[smem:s4], [sflag:s16] =	dma.local [hbm:s2], $0x1  }
0xb: {  	_ =	swait.eq [sflag:s16], $0x1  }
0xc: {  	[sflag:s16] =	ssyncset.done $0x0  }
0xd: {  	[sflag:s16] =	ssyncadd.s32 $0xFFFFFFFF  }
0xe: {  	s17 =	sld [smem:$0x10];
	(tm) =	ssettm $0x1  }
0xf: {  	s18 =	sld [smem:$0x3FFB];
	_ =	sdelay $0x3  }
0x10: {  	_ =	strace s18  }
0x11: {  	s3 =	sld [smem:$0x3FFC];
	_ =	sdelay $0x3  }
0x12: {  	_ =	strace s3  }
0x13: {  	s3 =	sld [smem:$0x3FFD];
	_ =	sdelay $0x3  }
0x14: {  	_ =	strace s3  }
0x15: {  	_ =	strace $0x8FFFFFFF  }
0x16: {  	s19 =	sld [smem:$0x3FDB];
	_ =	sdelay $0x1  }
0x17: {  	s20 =	simm.s32 $_scs_section_size  }
0x18: {  	s5 =	simm.s32 $_size__tile_overlayer_lowered;
	s6 =	simm.s32 $_tile_overlayer_lowered  }
0x19: {  	s23 =	simm.s32 $0x1BFF;
	s22 =	sshll.u32 s6, $0x1;
	s3 =	sadd.s32 s20, s19  }
0x1a: {  	s7 =	simm.s32 $0x0;
	s21 =	sshll.u32 s5, $0x1;
	s5 =	sadd.s32 s22, s3  }
0x1b: {  	[timem:s7], [sflag:s23] =	dma.local [hbm:s5], s21  }
0x1c: {  	_ =	swait.ge [sflag:s23], s21  }
0x1d: {  	s4 =	ssub.s32 $0x0, s21;
	[sflag:s23] =	ssyncset.done $0x0  }
0x1e: {  	[sflag:s23] =	ssyncadd.s32 s4;
	_ =	sdelay $0x1  }
0x1f: {  	s24 =	simm.s32 $0x1B8B  }
0x20: {  	_ =	swait.ge [sflag:s24], $0x1  }
0x21: {  	[sflag:s24] =	ssyncset.done $0x0  }
0x22: {  	s26 =	simm.s32 $0x1B8E;
	s25 =	sld [smem:$0x3FFE];
	[sflag:s24] =	ssyncadd.s32 $0xFFFFFFFF  }
0x23: {  	s27 =	simm.s32 $execute0_lowered;
	[smem:$0x3FD2] =	sst s26  }
0x24: {  	s5 =	sshll.u32 s27, $0x1;
	_ =	strace $0x80000046;
	[dreg:$0x1] =	wrdreg $0xFFFFFFFF  }
0x25: {  	s28 =	simm.s32 $_size_execute0_lowered;
	s3 =	sadd.s32 s3, s5;
	[dreg:$0x0] =	wrdreg $0x0  }
0x26: {  	s5 =	sshll.u32 s28, $0x1;
	[dreg:$0x2] =	wrdreg s3  }
0x27: {  	[dreg:$0x3] =	wrdreg s5  }
0x28: {  	[dreg:$0x4] =	wrdreg $0xC0  }
0x29: {  	_ =	task [dreg:s7], $0x5FFFF  }
0x2a: {  	[dreg:$0x1] =	wrdreg $0xFFFFFFFF  }
0x2b: {  	[dreg:$0x0] =	wrdreg $0x60  }
0x2c: {  	[dreg:$0x2] =	wrdreg s25  }
0x2d: {  	[dreg:$0x3] =	wrdreg s17  }
0x2e: {  	[dreg:$0x4] =	wrdreg $0xB  }
0x2f: {  	_ =	task.clear_ibuf [dreg:s7], $0x5FFFF;
	_ =	strace $0x90000046  }
0x30: {  	s29 =	simm.s32 $0xB;
	_ =	strace $0x80000048  }
0x31: {  	_ =	swait.ge [sflag:s29], $0x1  }
0x32: {  	[sflag:s29] =	ssyncadd.s32 $0xFFFFFFFF  }
0x33: {  	_ =	strace $0x90000048  }
0x34: {  	_ =	sfence  }
0x35: {  	s30 =	sld [smem:$0x0];
	_ =	sdelay $0x2  }
0x36: {  	s31 =	sshll.u32 s1, $0xD;
	s1 =	sshrl.u32 s1, $0x2  }
0x37: {  	s3 =	sand.u32 $0x4000, s31;
	s1 =	sadd.s32 s1, s30  }
0x38: {  	s0 =	sor.u32 s3, s0;
	s1 =	sshll.u32 s1, $0x11  }
0x39: {  	s0 =	sor.u32 s1, s0  }
0x3a: {  	s0 =	sadd.s32 $0x8F2B, s0  }
0x3b: {  	[sflag:s0] =	ssyncadd.remote.s32 $0x1  }
0x3c: {  	_ =	sfence.sel $0xFFFF  }
0x3d: {  	[dreg:$0x0] =	wrdreg $0xFFFFFFFF;
	(pc) =	sbr.abs _section_cstart, $3  }
0x3e: {  	[dreg:$0x1] =	wrdreg $0xFFFFFFFF  }
0x3f: {  	_ =	task.clear_ibuf [dreg:s7], $0x2FFFF;
	_ =	strace $0x9FFFFFFF  }
0x40: {  	(tm) =	ssettm $0x7FFFFFFF  }
0x41: {  	_ =	shalt  }
tec
execute0_lowered:
.L_overlay_start_1:
0x0: {  	(tag) =	ssettag $0x1  }
0x1: {  	s0 =	srdreg.scid  }
0x2: {  	s7 =	rddreg [dreg:$0x0];
	s1 =	sshll.u32 s0, $0x4  }
0x3: {  	s3 =	rddreg [dreg:$0x1];
	s0 =	stileid.u32;
	s1 =	sand.u32 $0x10, s1  }
0x4: {  	s6 =	simm.s32 $0x1;
	s31 =	simm.s32 $0x2;
	s1 =	sor.u32 s0, s1  }
0x5: {  	s13 =	simm.s32 $0x0;
	s9 =	simm.s32 $0x8000;
	s2 =	sshll.u32 s1, $0x1  }
0x6: {  	s14 =	simm.s32 $0x0;
	s10 =	simm.s32 $0x0;
	s4 =	ssub.s32 $0x40, s2  }
0x7: {  	s12 =	simm.s32 $0x0;
	s1 =	rddreg [dreg:$0x2];
	s5 =	sand.u32 $0x3E, s4  }
.Ltmp0:
0x8: {  	_ =	strace $0x80000047;
	p0 =	sne.s32 s5, $0x0;
	(pc) =	sbr.rel .LBB1_1-.Ltmp0, $4  }
0x9: {  	s11 =	smov.u32 s2;
	s8 =	sshrl.u32 s4, $0x6;
	s6 =	simm.s32 @!p0 $0x0  }
0xa: {  	s4 =	sadd.s32 $0x201400, s7;
	s5 =	simm.s32 $0x1;
	s6 =	sadd.s32 s6, s8  }
0xb: {  	s7 =	sadd.s32 $0x211400, s7;
	[sflag:s5] =	ssyncpa.u1 $0x0;
	s6 =	sshll.u32 s6, $0x5  }
0xc: {  	p0 =	por $0x0, $0x0;
	[sflag:s31] =	ssyncpa.u1 $0x0;
	s8 =	sor.u32 $0x1, s6  }
.LBB1_7:
0xd: {  	s15 =	sadd.s32 $0x80, s10  }
0xe: {  	s13 =	sadd.s32 $0x40, s11;
	s17 =	smov.u32 s11;
	p2 =	sgt.s32 s15, $0xFFF  }
0xf: {  	s17 =	smov.u32 @p2 s13  }
0x10: {  	s15 =	simm.s32 @p2 $0x0;
	p2 =	sgt.s32 s17, $0x3F  }
0x11: {  	s17 =	smov.u32 @p2 s2;
	p2 =	sne.s32 s12, s8  }
.Ltmp1:
0x12: {  	p1 =	slt.u32 s12, $0x2;
	(pc) =	sbr.rel @!p2 .LBB1_8-.Ltmp1, $4  }
0x13: {  	s16 =	simm.s32 @!p1 $0x2  }
0x14: {  	s14 =	smov.u32 s11;
	p0 =	por !p0, !p0;
	_ =	swait.ge @!p1 [sflag:s16], $0x4000  }
0x15: {  	s13 =	smov.u32 s10;
	[sflag:s16] =	ssyncset.done @!p1 $0x0;
	s10 =	smov.u32 s15  }
0x16: {  	s12 =	sadd.s32 $0x1, s12;
	[sflag:s16] =	ssyncadd.s32 @!p1 $0xFFFFC000;
	s11 =	smov.u32 s17  }
.LBB1_1:
0x17: {  	p1 =	sge.u32 s12, s6  }
0x18: {  	s15 =	sxor.u32 @!p1 $0xFFFFFFFF, s12;
	s16 =	sshll.u32 @!p1 s11, $0x10  }
0x19: {  	s17 =	sshll.u32 @!p1 s10, $0x4;
	s19 =	simm.s32 @!p1 $0x40;
	s20 =	simm.s32 @!p1 $0x80  }
0x1a: {  	s15 =	sshll.u32 @!p1 s15, $0xE;
	s17 =	sand.u32 @!p1 $0xFFF0, s17;
	s18 =	sadd.s32 @!p1 s4, s16  }
0x1b: {  	s16 =	sadd.s32 @!p1 s16, s7;
	s15 =	sand.u32 @!p1 $0x4000, s15;
	s18 =	sadd.s32 @!p1 s17, s18  }
0x1c: {  	[tilespmem:s15], [sflag:$0x1] =	stream.strided.gather @!p1 [hbm4b:s18+s19], $0x2000, s20, s19, $0x38;
	[tilespmem:$0x10100] =	vst v63  }
0x1d: {  	s31 =	sadd.s32 $0xFFFFFFFF, s12;
	s16 =	sadd.s32 @!p1 s17, s16;
	s15 =	sor.u32 @!p1 $0x2000, s15  }
0x1e: {  	[tilespmem:s15], [sflag:$0x1] =	stream.strided.gather @!p1 [hbm4b:s16+s19], $0x2000, s20, s19, $0x38;
	[tilespmem:$0x10100] =	vst v63  }
0x1f: {  	p1 =	sge.u32 s31, s6  }
.Ltmp2:
0x20: {  	_ = 	snop;
	(pc) =	sbr.rel @p1 .LBB1_7-.Ltmp2, $1  }
0x21: {  	_ =	sdelay $0x3  }
0x22: {  	s15 =	simm.s32 $0x1;
	s17 =	sand.u32 $0x1, s12  }
0x23: {  	_ =	swait.ge [sflag:s5], $0x4000;
	s15 =	simm.s32 @!p0 $0x0;
	s17 =	smul.u32 $0x10200, s17  }
0x24: {  	p2 =	por $0x1, $0x1;
	[sflag:s5] =	ssyncset.done $0x0;
	s16 =	smul.u32 $0x10200, s15  }
0x25: {  	s18 =	sshll.u32 s15, $0x10;
	[sflag:s5] =	ssyncadd.s32 $0xFFFFC000;
	s30 =	sshrl.u32 s17, $0x2  }
0x26: {  	s31 =	sshrl.u32 s18, $0x2;
	s18 =	simm.s32 $0x0;
	s16 =	sshrl.u32 s16, $0x2  }
0x27: {  	s15 =	sor.u32 $0x8000, s30;
	s17 =	sadd.s32 $0x20, s31;
	s16 =	sor.u32 $0x8000, s16  }
.LBB1_3:
0x28: {  	s19 =	sshll.u32 s18, $0xD  }
0x29: {  	s19 =	sand.u32 $0x3FFFE000, s19  }
0x2a: {  	s21 =	sadd.s32 s19, s17  }
0x2b: {  	s31 =	smul.u32 $0x8100, s18;
	v3 =	vld [tilespmem:s21+$0x10]  }
0x2c: {  	v1 =	vld [tilespmem:s21+$0xFFFFFFF0]  }
0x2d: {  	s18 =	sshra.s32 s31, $0x2;
	v0 =	vld [tilespmem:s21+$0x0]  }
0x2e: {  	s18 =	sadd.s32 s18, s16;
	v2 =	vld [tilespmem:s21+$0xFFFFFFE0]  }
0x2f: {  	s19 =	sadd.s32 $0x0, s18  }
0x30: {  	p1 =	por p2, p2;
	s20 =	simm.s32 $0x4;
	s21 =	sadd.s32 $0x40, s21;
	[tilespmem:s19+$0x1830 ss:$0x81] =	vst.msk $0xffff, v3  }
.LBB1_4:
0x31: {  	v3 =	vld [tilespmem:s21+$0x10];
	p2 =	sne.s32 s20, $0x1FC;
	[tilespmem:s19+$0x810 ss:$0x81] =	vst.msk $0xffff, v1;
	s22 =	smov.u32 s20;
	s20 =	sadd.s32 $0x4, s20  }
.Ltmp3:
0x32: {  	v1 =	vld [tilespmem:s21+$0xFFFFFFF0];
	[tilespmem:s19+$0x1020 ss:$0x81] =	vst.msk $0xffff, v0;
	(pc) =	sbr.rel @p2 .LBB1_4-.Ltmp3, $4  }
0x33: {  	v0 =	vld [tilespmem:s21+$0x0];
	[tilespmem:s19+$0x0 ss:$0x81] =	vst.msk $0xffff, v2  }
0x34: {  	s19 =	sshra.s32 s22, $0x2;
	v2 =	vld [tilespmem:s21+$0xFFFFFFE0]  }
0x35: {  	s19 =	sadd.s32 s19, s18  }
0x36: {  	s21 =	sadd.s32 $0x40, s21;
	[tilespmem:s19+$0x1830 ss:$0x81] =	vst.msk $0xffff, v3  }
.Ltmp4:
0x37: {  	(pc) =	sbr.rel @p1 .LBB1_3-.Ltmp4, $4  }
0x38: {  	_ = 	snop  }
0x39: {  	[tilespmem:s19+$0x810 ss:$0x81] =	vst.msk $0xffff, v1  }
0x3a: {  	[tilespmem:s19+$0x1020 ss:$0x81] =	vst.msk $0xffff, v0  }
0x3b: {  	s18 =	simm.s32 $0x1;
	p2 =	por $0x0, $0x0;
	[tilespmem:s19+$0x0 ss:$0x81] =	vst.msk $0xffff, v2  }
0x3c: {  	s16 =	sshll.u32 s13, $0x3;
	s17 =	sand.u32 $0x78, s13;
	s14 =	sshll.u32 s14, $0xF  }
.Ltmp5:
0x3d: {  	s30 =	sand.u32 $0x7E00, s13;
	s16 =	sand.u32 $0xC00, s16;
	(pc) =	sbr.rel .LBB1_7-.Ltmp5, $4  }
0x3e: {  	s31 =	sand.u32 $0x7, s13;
	s14 =	sadd.s32 s3, s14;
	s16 =	sor.u32 s17, s16  }
0x3f: {  	s13 =	sshll.u32 s31, $0x12;
	s14 =	sadd.s32 s30, s14;
	s16 =	sshrl.u32 s16, $0x3  }
0x40: {  	s13 =	sor.u32 $0x400, s13;
	s14 =	sadd.s32 s16, s14  }
0x41: {  	[hbm4b:s14+s13] =	stream.strided.scatter [tilespmem:s15], [sflag:$0x2], $0x4000, s9, s13, $0x20;
	[tilespmem:$0x10100] =	vst v63  }
.LBB1_8:
0x42: {  	_ =	sfence.sel $0x180000  }
0x43: {  	s2 =	simm.s32 $0x1;
	[bflag:$0x0] =	sbarrier.arrive $0xFFFF  }
0x44: {  	s31 =	simm.s32 $0x2;
	[sflag:s2] =	ssyncpa.u1 $0x1  }
0x45: {  	[sflag:s31] =	ssyncpa.u1 $0x1  }
0x46: {  	p0 =	sne.s32 s0, $0x0;
	_ =	strace $0x90000047  }
0x47: {  	s0 =	sadd.s32 @!p0 $0x100000, s1;
	[bflag:$0x2] =	sbarrier.arrive $0xFFFF  }
0x48: {  	[sflag:s0] =	ssyncadd.tile.s32 @!p0 $0x1;
	_ =	shalt  }
.Lfunc_end1:
_tile_overlayer_lowered:
.L_overlay_start_2:
0x49: {  	(tag) =	ssettag $0x2  }
0x4a: {  	s0 =	rddreg [dreg:$0x0];
	s2 =	stileid.u32  }
0x4b: {  	s1 =	rddreg [dreg:$0x1];
	p0 =	sne.s32 s2, $0x0  }
0x4c: {  	s3 =	rddreg [dreg:$0x2];
	[bflag:$0x3] =	sbarrier.arrive $0xFFFF;
	s2 =	simm.s32 @!p0 $0x1C01  }
0x4d: {  	[timem:s3], [sflag:s2] =	dma.local @!p0 [hbm:s0], s1  }
0x4e: {  	s0 =	simm.s32 @!p0 $0x1  }
0x4f: {  	_ =	swait.ge @!p0 [sflag:s0], s1  }
0x50: {  	s1 =	ssub.s32 @!p0 $0x0, s1;
	[sflag:s0] =	ssyncset.done @!p0 $0x0  }
0x51: {  	[sflag:s0] =	ssyncadd.s32 @!p0 s1  }
0x52: {  	[bflag:$0x3] =	sbarrier.arrive $0xFFFF  }
0x53: {  	_ =	shalt  }

// kernel: sparse-core-data-format-call.cloned.1.call-start
scs
called_computation_lowered:
.L_overlay_start_0:
0x0: {  	s2 =	sld [smem:$0x3FD9]  }
0x1: {  	s3 =	sld [smem:$0x3FFE];
	_ =	sdelay $0x1  }
0x2: {  	s1 =	srdreg.scid  }
0x3: {  	s0 =	sand.u32 $0x1, s1  }
0x4: {  	s16 =	sshll.u32 s0, $0xA;
	s2 =	sadd.s32 s3, s2  }
0x5: {  	s2 =	sadd.s32 s2, s16  }
0x6: {  	[smem:$0x3FC7] =	sst s2  }
0x7: {  	_ = 	snop  }
0x8: {  	s2 =	sld [smem:$0x3FD0];
	_ =	sdelay $0x2  }
0x9: {  	s17 =	simm.s32 $0xC;
	s4 =	simm.s32 $0x10  }
0xa: {  	[smem:s4], [sflag:s17] =	dma.local [hbm:s2], $0x1  }
0xb: {  	_ =	swait.eq [sflag:s17], $0x1  }
0xc: {  	[sflag:s17] =	ssyncset.done $0x0  }
0xd: {  	[sflag:s17] =	ssyncadd.s32 $0xFFFFFFFF  }
0xe: {  	s18 =	sld [smem:$0x13];
	(tm) =	ssettm $0x1  }
0xf: {  	s19 =	sld [smem:$0x3FFB];
	_ =	sdelay $0x3  }
0x10: {  	_ =	strace s19  }
0x11: {  	s2 =	sld [smem:$0x3FFC];
	_ =	sdelay $0x3  }
0x12: {  	_ =	strace s2  }
0x13: {  	s2 =	sld [smem:$0x3FFD];
	_ =	sdelay $0x3  }
0x14: {  	_ =	strace s2  }
0x15: {  	_ =	strace $0x8FFFFFFF  }
0x16: {  	s20 =	sld [smem:$0x3FDB];
	_ =	sdelay $0x1  }
0x17: {  	s21 =	simm.s32 $_scs_section_size  }
0x18: {  	s5 =	simm.s32 $_size__tile_overlayer_lowered;
	s6 =	simm.s32 $_tile_overlayer_lowered  }
0x19: {  	s7 =	simm.s32 $0x1BFF;
	s22 =	sshll.u32 s6, $0x1;
	s4 =	sadd.s32 s21, s20  }
0x1a: {  	s23 =	simm.s32 $0x0;
	s5 =	sshll.u32 s5, $0x1;
	s6 =	sadd.s32 s22, s4  }
0x1b: {  	[timem:s23], [sflag:s7] =	dma.local [hbm:s6], s5  }
0x1c: {  	_ =	swait.ge [sflag:s7], s5  }
0x1d: {  	s5 =	ssub.s32 $0x0, s5;
	[sflag:s7] =	ssyncset.done $0x0  }
0x1e: {  	[sflag:s7] =	ssyncadd.s32 s5;
	_ =	sdelay $0x1  }
0x1f: {  	s24 =	simm.s32 $0x1B8B  }
0x20: {  	_ =	swait.ge [sflag:s24], $0x1  }
0x21: {  	[sflag:s24] =	ssyncset.done $0x0  }
0x22: {  	[sflag:s24] =	ssyncadd.s32 $0xFFFFFFFF  }
0x23: {  	s5 =	sld [smem:$0x0]  }
0x24: {  	s6 =	sand.u32 $0xFFFFFFFE, s1  }
0x25: {  	p0 =	sne.s32 s1, s6  }
0x26: {  	s6 =	sshll.u32 @p0 s6, $0xE  }
0x27: {  	s6 =	sadd.s32 @p0 $0x11B8D, s6;
	s7 =	sshll.u32 @p0 s5, $0x11  }
0x28: {  	s6 =	sor.u32 @p0 s7, s6  }
0x29: {  	[sflag:s6] =	ssyncadd.remote.s32 @p0 $0x1;
	_ =	sdelay $0x1  }
0x2a: {  	s6 =	simm.s32 @p0 $0x1B8D  }
0x2b: {  	_ =	swait.eq @p0 [sflag:s6], $0x1  }
0x2c: {  	[sflag:s6] =	ssyncadd.s32 @p0 $0xFFFFFFFF  }
0x2d: {  	s7 =	sshll.u32 @!p0 s1, $0xE  }
0x2e: {  	s7 =	sor.u32 @!p0 $0x4000, s7;
	s6 =	simm.s32 @!p0 $0x1B8D  }
0x2f: {  	s5 =	sshll.u32 @!p0 s5, $0x11;
	s7 =	sadd.s32 @!p0 $0x11B8D, s7;
	_ =	swait.eq @!p0 [sflag:s6], $0x1  }
0x30: {  	s5 =	sor.u32 @!p0 s5, s7;
	[sflag:s6] =	ssyncadd.s32 @!p0 $0xFFFFFFFF  }
0x31: {  	s26 =	simm.s32 $0x1B8E;
	s25 =	sld [smem:$0x3FFE];
	[sflag:s5] =	ssyncadd.remote.s32 @!p0 $0x1  }
0x32: {  	s27 =	simm.s32 $execute0_lowered;
	[smem:$0x3FD2] =	sst s26  }
0x33: {  	s6 =	sshll.u32 s27, $0x1;
	_ =	strace $0x8000004C;
	[dreg:$0x1] =	wrdreg $0xFFFFFFFF  }
0x34: {  	s28 =	simm.s32 $_size_execute0_lowered;
	s4 =	sadd.s32 s4, s6;
	[dreg:$0x0] =	wrdreg $0x0  }
0x35: {  	s6 =	sshll.u32 s28, $0x1;
	[dreg:$0x2] =	wrdreg s4  }
0x36: {  	[dreg:$0x3] =	wrdreg s6  }
0x37: {  	[dreg:$0x4] =	wrdreg $0xC0  }
0x38: {  	_ =	task [dreg:s23], $0x5FFFF  }
0x39: {  	[dreg:$0x1] =	wrdreg $0xFFFFFFFF  }
0x3a: {  	[dreg:$0x0] =	wrdreg $0x60  }
0x3b: {  	[dreg:$0x2] =	wrdreg s25  }
0x3c: {  	[dreg:$0x3] =	wrdreg s18  }
0x3d: {  	[dreg:$0x4] =	wrdreg $0x9  }
0x3e: {  	_ =	task.clear_ibuf [dreg:s23], $0x5FFFF;
	_ =	strace $0x9000004C  }
0x3f: {  	s29 =	simm.s32 $0x9;
	_ =	strace $0x8000004E  }
0x40: {  	_ =	swait.ge [sflag:s29], $0x1  }
0x41: {  	[sflag:s29] =	ssyncadd.s32 $0xFFFFFFFF  }
0x42: {  	_ =	strace $0x9000004E  }
0x43: {  	_ =	sfence  }
0x44: {  	s30 =	sld [smem:$0x0];
	_ =	sdelay $0x2  }
0x45: {  	s31 =	sshll.u32 s1, $0xD;
	s1 =	sshrl.u32 s1, $0x2  }
0x46: {  	s4 =	sand.u32 $0x4000, s31;
	s1 =	sadd.s32 s1, s30  }
0x47: {  	s0 =	sor.u32 s4, s0;
	s1 =	sshll.u32 s1, $0x11  }
0x48: {  	s0 =	sor.u32 s1, s0  }
0x49: {  	s0 =	sadd.s32 $0x8F2B, s0  }
0x4a: {  	[sflag:s0] =	ssyncadd.remote.s32 $0x1  }
0x4b: {  	_ =	sfence.sel $0xFFFF  }
0x4c: {  	[dreg:$0x0] =	wrdreg $0xFFFFFFFF;
	(pc) =	sbr.abs _section_cstart, $3  }
0x4d: {  	[dreg:$0x1] =	wrdreg $0xFFFFFFFF  }
0x4e: {  	_ =	task.clear_ibuf [dreg:s23], $0x2FFFF;
	_ =	strace $0x9FFFFFFF  }
0x4f: {  	(tm) =	ssettm $0x7FFFFFFF  }
tec
execute0_lowered:
.L_overlay_start_1:
0x0: {  	(tag) =	ssettag $0x1  }
0x1: {  	s0 =	srdreg.scid  }
0x2: {  	s7 =	rddreg [dreg:$0x0];
	s1 =	sshll.u32 s0, $0x4  }
0x3: {  	s3 =	rddreg [dreg:$0x1];
	s0 =	stileid.u32;
	s1 =	sand.u32 $0x10, s1  }
0x4: {  	s6 =	simm.s32 $0x1;
	s31 =	simm.s32 $0x2;
	s1 =	sor.u32 s0, s1  }
0x5: {  	s13 =	simm.s32 $0x0;
	s9 =	simm.s32 $0x8000;
	s2 =	sshll.u32 s1, $0x1  }
0x6: {  	s14 =	simm.s32 $0x0;
	s10 =	simm.s32 $0x0;
	s4 =	ssub.s32 $0x40, s2  }
0x7: {  	s12 =	simm.s32 $0x0;
	s1 =	rddreg [dreg:$0x2];
	s5 =	sand.u32 $0x3E, s4  }
.Ltmp0:
0x8: {  	_ =	strace $0x8000004D;
	p0 =	sne.s32 s5, $0x0;
	(pc) =	sbr.rel .LBB1_1-.Ltmp0, $4  }
0x9: {  	s11 =	smov.u32 s2;
	s8 =	sshrl.u32 s4, $0x6;
	s6 =	simm.s32 @!p0 $0x0  }
0xa: {  	s4 =	sadd.s32 $0xA01400, s7;
	s5 =	simm.s32 $0x1;
	s6 =	sadd.s32 s6, s8  }
0xb: {  	s7 =	sadd.s32 $0xA11400, s7;
	[sflag:s5] =	ssyncpa.u1 $0x0;
	s6 =	sshll.u32 s6, $0x5  }
0xc: {  	p0 =	por $0x0, $0x0;
	[sflag:s31] =	ssyncpa.u1 $0x0;
	s8 =	sor.u32 $0x1, s6  }
.LBB1_7:
0xd: {  	s15 =	sadd.s32 $0x80, s10  }
0xe: {  	s13 =	sadd.s32 $0x40, s11;
	s17 =	smov.u32 s11;
	p2 =	sgt.s32 s15, $0xFFF  }
0xf: {  	s17 =	smov.u32 @p2 s13  }
0x10: {  	s15 =	simm.s32 @p2 $0x0;
	p2 =	sgt.s32 s17, $0x3F  }
0x11: {  	s17 =	smov.u32 @p2 s2;
	p2 =	sne.s32 s12, s8  }
.Ltmp1:
0x12: {  	p1 =	slt.u32 s12, $0x2;
	(pc) =	sbr.rel @!p2 .LBB1_8-.Ltmp1, $4  }
0x13: {  	s16 =	simm.s32 @!p1 $0x2  }
0x14: {  	s14 =	smov.u32 s11;
	p0 =	por !p0, !p0;
	_ =	swait.ge @!p1 [sflag:s16], $0x4000  }
0x15: {  	s13 =	smov.u32 s10;
	[sflag:s16] =	ssyncset.done @!p1 $0x0;
	s10 =	smov.u32 s15  }
0x16: {  	s12 =	sadd.s32 $0x1, s12;
	[sflag:s16] =	ssyncadd.s32 @!p1 $0xFFFFC000;
	s11 =	smov.u32 s17  }
.LBB1_1:
0x17: {  	p1 =	sge.u32 s12, s6  }
0x18: {  	s15 =	sxor.u32 @!p1 $0xFFFFFFFF, s12;
	s16 =	sshll.u32 @!p1 s11, $0x10  }
0x19: {  	s17 =	sshll.u32 @!p1 s10, $0x4;
	s19 =	simm.s32 @!p1 $0x40;
	s20 =	simm.s32 @!p1 $0x80  }
0x1a: {  	s15 =	sshll.u32 @!p1 s15, $0xE;
	s17 =	sand.u32 @!p1 $0xFFF0, s17;
	s18 =	sadd.s32 @!p1 s4, s16  }
0x1b: {  	s16 =	sadd.s32 @!p1 s16, s7;
	s15 =	sand.u32 @!p1 $0x4000, s15;
	s18 =	sadd.s32 @!p1 s17, s18  }
0x1c: {  	[tilespmem:s15], [sflag:$0x1] =	stream.strided.gather @!p1 [hbm4b:s18+s19], $0x2000, s20, s19, $0x38;
	[tilespmem:$0x10100] =	vst v63  }
0x1d: {  	s31 =	sadd.s32 $0xFFFFFFFF, s12;
	s16 =	sadd.s32 @!p1 s17, s16;
	s15 =	sor.u32 @!p1 $0x2000, s15  }
0x1e: {  	[tilespmem:s15], [sflag:$0x1] =	stream.strided.gather @!p1 [hbm4b:s16+s19], $0x2000, s20, s19, $0x38;
	[tilespmem:$0x10100] =	vst v63  }
0x1f: {  	p1 =	sge.u32 s31, s6  }
.Ltmp2:
0x20: {  	_ = 	snop;
	(pc) =	sbr.rel @p1 .LBB1_7-.Ltmp2, $1  }
0x21: {  	_ =	sdelay $0x3  }
0x22: {  	s15 =	simm.s32 $0x1;
	s17 =	sand.u32 $0x1, s12  }
0x23: {  	_ =	swait.ge [sflag:s5], $0x4000;
	s15 =	simm.s32 @!p0 $0x0;
	s17 =	smul.u32 $0x10200, s17  }
0x24: {  	p2 =	por $0x1, $0x1;
	[sflag:s5] =	ssyncset.done $0x0;
	s16 =	smul.u32 $0x10200, s15  }
0x25: {  	s18 =	sshll.u32 s15, $0x10;
	[sflag:s5] =	ssyncadd.s32 $0xFFFFC000;
	s30 =	sshrl.u32 s17, $0x2  }
0x26: {  	s31 =	sshrl.u32 s18, $0x2;
	s18 =	simm.s32 $0x0;
	s16 =	sshrl.u32 s16, $0x2  }
0x27: {  	s15 =	sor.u32 $0x8000, s30;
	s17 =	sadd.s32 $0x20, s31;
	s16 =	sor.u32 $0x8000, s16  }
.LBB1_3:
0x28: {  	s19 =	sshll.u32 s18, $0xD  }
0x29: {  	s19 =	sand.u32 $0x3FFFE000, s19  }
0x2a: {  	s21 =	sadd.s32 s19, s17  }
0x2b: {  	s31 =	smul.u32 $0x8100, s18;
	v3 =	vld [tilespmem:s21+$0x10]  }
0x2c: {  	v1 =	vld [tilespmem:s21+$0xFFFFFFF0]  }
0x2d: {  	s18 =	sshra.s32 s31, $0x2;
	v0 =	vld [tilespmem:s21+$0x0]  }
0x2e: {  	s18 =	sadd.s32 s18, s16;
	v2 =	vld [tilespmem:s21+$0xFFFFFFE0]  }
0x2f: {  	s19 =	sadd.s32 $0x0, s18  }
0x30: {  	p1 =	por p2, p2;
	s20 =	simm.s32 $0x4;
	s21 =	sadd.s32 $0x40, s21;
	[tilespmem:s19+$0x1830 ss:$0x81] =	vst.msk $0xffff, v3  }
.LBB1_4:
0x31: {  	v3 =	vld [tilespmem:s21+$0x10];
	p2 =	sne.s32 s20, $0x1FC;
	[tilespmem:s19+$0x810 ss:$0x81] =	vst.msk $0xffff, v1;
	s22 =	smov.u32 s20;
	s20 =	sadd.s32 $0x4, s20  }
.Ltmp3:
0x32: {  	v1 =	vld [tilespmem:s21+$0xFFFFFFF0];
	[tilespmem:s19+$0x1020 ss:$0x81] =	vst.msk $0xffff, v0;
	(pc) =	sbr.rel @p2 .LBB1_4-.Ltmp3, $4  }
0x33: {  	v0 =	vld [tilespmem:s21+$0x0];
	[tilespmem:s19+$0x0 ss:$0x81] =	vst.msk $0xffff, v2  }
0x34: {  	s19 =	sshra.s32 s22, $0x2;
	v2 =	vld [tilespmem:s21+$0xFFFFFFE0]  }
0x35: {  	s19 =	sadd.s32 s19, s18  }
0x36: {  	s21 =	sadd.s32 $0x40, s21;
	[tilespmem:s19+$0x1830 ss:$0x81] =	vst.msk $0xffff, v3  }
.Ltmp4:
0x37: {  	(pc) =	sbr.rel @p1 .LBB1_3-.Ltmp4, $4  }
0x38: {  	_ = 	snop  }
0x39: {  	[tilespmem:s19+$0x810 ss:$0x81] =	vst.msk $0xffff, v1  }
0x3a: {  	[tilespmem:s19+$0x1020 ss:$0x81] =	vst.msk $0xffff, v0  }
0x3b: {  	s18 =	simm.s32 $0x1;
	p2 =	por $0x0, $0x0;
	[tilespmem:s19+$0x0 ss:$0x81] =	vst.msk $0xffff, v2  }
0x3c: {  	s16 =	sshll.u32 s13, $0x3;
	s17 =	sand.u32 $0x78, s13;
	s14 =	sshll.u32 s14, $0xF  }
.Ltmp5:
0x3d: {  	s30 =	sand.u32 $0x7E00, s13;
	s16 =	sand.u32 $0xC00, s16;
	(pc) =	sbr.rel .LBB1_7-.Ltmp5, $4  }
0x3e: {  	s31 =	sand.u32 $0x7, s13;
	s14 =	sadd.s32 s3, s14;
	s16 =	sor.u32 s17, s16  }
0x3f: {  	s13 =	sshll.u32 s31, $0x12;
	s14 =	sadd.s32 s30, s14;
	s16 =	sshrl.u32 s16, $0x3  }
0x40: {  	s13 =	sor.u32 $0x400, s13;
	s14 =	sadd.s32 s16, s14  }
0x41: {  	[hbm4b:s14+s13] =	stream.strided.scatter [tilespmem:s15], [sflag:$0x2], $0x4000, s9, s13, $0x20;
	[tilespmem:$0x10100] =	vst v63  }
.LBB1_8:
0x42: {  	_ =	sfence.sel $0x180000  }
0x43: {  	s2 =	simm.s32 $0x1;
	[bflag:$0x0] =	sbarrier.arrive $0xFFFF  }
0x44: {  	s31 =	simm.s32 $0x2;
	[sflag:s2] =	ssyncpa.u1 $0x1  }
0x45: {  	[sflag:s31] =	ssyncpa.u1 $0x1  }
0x46: {  	p0 =	sne.s32 s0, $0x0;
	_ =	strace $0x9000004D  }
0x47: {  	s0 =	sadd.s32 @!p0 $0x100000, s1;
	[bflag:$0x2] =	sbarrier.arrive $0xFFFF  }
0x48: {  	[sflag:s0] =	ssyncadd.tile.s32 @!p0 $0x1;
	_ =	shalt  }
.Lfunc_end1:
_tile_overlayer_lowered:
.L_overlay_start_2:
0x49: {  	(tag) =	ssettag $0x2  }
0x4a: {  	s0 =	rddreg [dreg:$0x0];
	s2 =	stileid.u32  }
0x4b: {  	s1 =	rddreg [dreg:$0x1];
	p0 =	sne.s32 s2, $0x0  }
0x4c: {  	s3 =	rddreg [dreg:$0x2];
	[bflag:$0x3] =	sbarrier.arrive $0xFFFF;
	s2 =	simm.s32 @!p0 $0x1C01  }
0x4d: {  	[timem:s3], [sflag:s2] =	dma.local @!p0 [hbm:s0], s1  }
0x4e: {  	s0 =	simm.s32 @!p0 $0x1  }
0x4f: {  	_ =	swait.ge @!p0 [sflag:s0], s1  }
0x50: {  	s1 =	ssub.s32 @!p0 $0x0, s1;
	[sflag:s0] =	ssyncset.done @!p0 $0x0  }
0x51: {  	[sflag:s0] =	ssyncadd.s32 @!p0 s1  }
0x52: {  	[bflag:$0x3] =	sbarrier.arrive $0xFFFF  }
0x53: {  	_ =	shalt  }

</sc_bundles>
